<compile_context>
chip_gen: v7x
topology: tpu7x:2x2x1
jax: 0.10.2.dev20260603
libtpu: 0.0.44.dev20260713+nightly
codegen_flags: <defaults>
</compile_context>

<pallas_src>
import jax
import jax.numpy as jnp
from jax import lax
from jax.experimental import pallas as pl
from jax.experimental.pallas import tpu as pltpu
from jax.experimental.pallas import tpu_sc as plsc

N_LATENT = 128
N_GENES = 100000
N_OUT = 16
N_HIDDEN = 16
BATCH = 1024
G_OI = 2048

_NW = 32
_GPW = G_OI // _NW
_NCOLS = G_OI * N_OUT


def _sc_gather_body(genes_hbm, wtbl_hbm, rows_hbm, idx_v, rows_v, wsem):
    wid = lax.axis_index("s") * 2 + lax.axis_index("c")
    base = wid * _GPW
    pltpu.sync_copy(genes_hbm.at[pl.ds(base, _GPW)], idx_v)
    pltpu.async_copy(wtbl_hbm.at[idx_v], rows_v, wsem).wait()
    pltpu.sync_copy(rows_v, rows_hbm.at[pl.ds(base, _GPW)])


def _sc_gather(genes, wtbl384):
    mesh = plsc.VectorSubcoreMesh(core_axis_name="c", subcore_axis_name="s")
    return pl.kernel(
        _sc_gather_body,
        out_type=jax.ShapeDtypeStruct((G_OI, 384), jnp.float32),
        mesh=mesh,
        scratch_types=(
            pltpu.VMEM((_GPW,), jnp.int32),
            pltpu.VMEM((_GPW, 384), jnp.float32),
            pltpu.SemaphoreType.DMA,
        ),
    )(genes, wtbl384)


_RLB = 4096
_CW = 384


def _tc_relayout_body(wt_ref, bt_ref, out_ref):
    out_ref[:, 0:N_HIDDEN * N_OUT] = wt_ref[...].T
    out_ref[:, N_HIDDEN * N_OUT:N_HIDDEN * N_OUT + N_OUT] = bt_ref[...].T


def _tc_relayout(wt_native, bt_native):
    return pl.pallas_call(
        _tc_relayout_body,
        grid=(pl.cdiv(N_GENES, _RLB),),
        in_specs=[
            pl.BlockSpec((N_HIDDEN * N_OUT, _RLB), lambda j: (0, j)),
            pl.BlockSpec((N_OUT, _RLB), lambda j: (0, j)),
        ],
        out_specs=pl.BlockSpec((_RLB, _CW), lambda j: (j, 0)),
        out_shape=jax.ShapeDtypeStruct((N_GENES, _CW), jnp.float32),
        compiler_params=pltpu.CompilerParams(
            dimension_semantics=("parallel",),
        ),
    )(wt_native, bt_native)


def _tc_transpose_body(rows_ref, wt9_ref, bt_ref):
    a = rows_ref[...]
    at = a[:, 0:N_HIDDEN * N_OUT].T
    for ot in range(2):
        for h in range(N_HIDDEN):
            s = h * 16 + ot * 8
            wt9_ref[ot, pl.ds(h * 8, 8), :] = at[s:s + 8, :]
    bt_ref[...] = a[:, N_HIDDEN * N_OUT:N_HIDDEN * N_OUT + N_OUT].T


def _tc_transpose(rows_all):
    return pl.pallas_call(
        _tc_transpose_body,
        out_shape=(
            jax.ShapeDtypeStruct((2, 128, G_OI), jnp.float32),
            jax.ShapeDtypeStruct((N_OUT, G_OI), jnp.float32),
        ),
    )(rows_all)


_BB = 256
_GT = 8


def _tc_matmul_body(latent_ref, w1_ref, b1_ref, scale_ref, shift_ref,
                    wt9_ref, bias_ref, out_ref):
    h = jnp.dot(latent_ref[...], w1_ref[...], preferred_element_type=jnp.float32)
    h = jnp.maximum(h + b1_ref[...], 0.0)
    h = h * scale_ref[...] + shift_ref[...]
    ii = lax.broadcasted_iota(jnp.int32, (N_HIDDEN, 128), 0)
    kk = lax.broadcasted_iota(jnp.int32, (N_HIDDEN, 128), 1) // 8
    expand = jnp.where(ii == kk, 1.0, 0.0).astype(jnp.float32)
    hrep = jnp.dot(h, expand, preferred_element_type=jnp.float32)
    h3 = jnp.broadcast_to(hrep[:, None, :], (_BB, 8, 128)).reshape(_BB * 8, 128)
    ri = lax.broadcasted_iota(jnp.int32, (_BB * 8, 128), 0) % 8
    ki = lax.broadcasted_iota(jnp.int32, (_BB * 8, 128), 1) % 8
    lhs = jnp.where(ri == ki, h3, 0.0)
    res = jnp.dot(lhs, wt9_ref[0], preferred_element_type=jnp.float32)
    bb = jnp.broadcast_to(bias_ref[0][None], (_BB, 8, _GT * 128))
    res = res + bb.reshape(_BB * 8, _GT * 128)
    for gt in range(_GT):
        out_ref[:, 0, gt] = res[:, gt * 128:(gt + 1) * 128].reshape(_BB, 8, 128)


def _tc_matmul(latent, w1, b1, scale, shift, wt9, bias9):
    grid = (BATCH // _BB, 2, N_OUT // 8 // 2 * G_OI // (128 * _GT))
    return pl.pallas_call(
        _tc_matmul_body,
        grid=grid,
        in_specs=[
            pl.BlockSpec((_BB, N_LATENT), lambda i, j, k: (i, 0)),
            pl.BlockSpec((N_LATENT, N_HIDDEN), lambda i, j, k: (0, 0)),
            pl.BlockSpec((1, N_HIDDEN), lambda i, j, k: (0, 0)),
            pl.BlockSpec((1, N_HIDDEN), lambda i, j, k: (0, 0)),
            pl.BlockSpec((1, N_HIDDEN), lambda i, j, k: (0, 0)),
            pl.BlockSpec((1, 128, _GT * 128), lambda i, j, k: (j, 0, k)),
            pl.BlockSpec((1, 8, _GT * 128), lambda i, j, k: (j, 0, k)),
        ],
        out_specs=pl.BlockSpec((_BB, 1, _GT, 8, 128),
                               lambda i, j, k: (i, j, k, 0, 0)),
        out_shape=jax.ShapeDtypeStruct((BATCH, 2, N_OUT, 8, 128), jnp.float32),
        compiler_params=pltpu.CompilerParams(
            dimension_semantics=("parallel", "parallel", "parallel"),
        ),
    )(latent, w1, b1, scale, shift, wt9, bias9)


def kernel(latent, genes_oi, W1, b1, gamma, beta, run_mean, run_var,
           weight_table, bias_table):
    genes = genes_oi.astype(jnp.int32)
    wtbl384 = _tc_relayout(
        weight_table.transpose(1, 2, 0).reshape(N_HIDDEN * N_OUT, N_GENES),
        bias_table.T)

    rows_all = _sc_gather(genes, wtbl384)

    wt9, bias_t = _tc_transpose(rows_all)
    bias9 = bias_t.reshape(2, 8, G_OI)

    scale = (gamma / jnp.sqrt(run_var + 1e-5)).reshape(1, N_HIDDEN)
    shift = (beta - run_mean * scale[0]).reshape(1, N_HIDDEN)

    out5 = _tc_matmul(latent, W1, b1.reshape(1, N_HIDDEN), scale, shift,
                      wt9, bias9)
    out = out5.reshape(BATCH, 2, N_OUT, 8, 128).transpose(0, 2, 4, 1, 3)
    return out.reshape(BATCH, G_OI, N_OUT)

# --- scband reference (transcript-rebuilt; emitter-appended) ---
"""Pipeline reference for scband-decoder-77841987272826 (READ-ONLY COPY).

The authoritative reference and input builder live on the scoring server;
editing this copy changes nothing except your own understanding.
"""

import jax, jax.numpy as jnp
import numpy as np
import math

N_LATENT = 128
N_GENES = 100000
N_OUT = 16
N_HIDDEN = 16
BATCH = 1024
G_OI = 2048


def setup_inputs(seed: int = 0) -> dict:
    key = jax.random.key(seed)
    ks = jax.random.split(key, 8)
    latent = jax.random.normal(ks[0], (BATCH, N_LATENT), dtype=jnp.float32)
    genes_oi = jax.random.randint(ks[1], (G_OI,), 0, N_GENES, dtype=jnp.int64 if jax.config.jax_enable_x64 else jnp.int32)
    # dense MLP params (Linear(n_latent -> n_hidden))
    bound = 1.0 / math.sqrt(N_LATENT)
    W1 = jax.random.uniform(ks[2], (N_LATENT, N_HIDDEN), minval=-bound, maxval=bound, dtype=jnp.float32)
    b1 = jax.random.uniform(ks[3], (N_HIDDEN,), minval=-bound, maxval=bound, dtype=jnp.float32)
    # BatchNorm1d params/buffers (eval mode)
    gamma = jnp.ones((N_HIDDEN,), dtype=jnp.float32)
    beta = jnp.zeros((N_HIDDEN,), dtype=jnp.float32)
    run_mean = jnp.zeros((N_HIDDEN,), dtype=jnp.float32)
    run_var = jnp.ones((N_HIDDEN,), dtype=jnp.float32)
    # sparse embedding tables: weight [n_genes, n_hidden, n_out], bias [n_genes, n_out]
    stdv = 1.0 / math.sqrt(N_HIDDEN)
    weight_table = jax.random.uniform(ks[4], (N_GENES, N_HIDDEN, N_OUT), minval=-stdv, maxval=stdv, dtype=jnp.float32)
    bias_table = jnp.zeros((N_GENES, N_OUT), dtype=jnp.float32)
    return {
        "latent": latent,
        "genes_oi": genes_oi,
        "W1": W1,
        "b1": b1,
        "gamma": gamma,
        "beta": beta,
        "run_mean": run_mean,
        "run_var": run_var,
        "weight_table": weight_table,
        "bias_table": bias_table,
    }


def reference(latent, genes_oi, W1, b1, gamma, beta, run_mean, run_var, weight_table, bias_table):
    # nn: Linear -> ReLU -> BatchNorm1d (eval) -> Dropout (eval = identity)
    h = latent @ W1 + b1
    h = jnp.maximum(h, 0.0)
    h = (h - run_mean) / jnp.sqrt(run_var + 1e-5) * gamma + beta
    # sparse embedding gathers
    w = jnp.take(weight_table, genes_oi, axis=0)  # [G, n_hidden, n_out]
    b = jnp.take(bias_table, genes_oi, axis=0)    # [G, n_out]
    nn_output = h[:, None, None, :]               # [B, 1, 1, n_hidden]
    out = jnp.matmul(nn_output, w)                # [B, G, 1, n_out]
    return jnp.squeeze(out, axis=-2) + b          # [B, G, n_out]

if __name__ == "__main__":
    import jax
    _d = setup_inputs()
    print(jax.jit(kernel)(*tuple(_d.values())))

</pallas_src>

<mosaic_0001>
#map = affine_map<(d0, d1) -> (0)>
#map1 = affine_map<(d0, d1) -> (0, 0)>
module attributes {stable_mosaic.version = 14 : i64} {
  func.func @_sc_gather_body(%arg0: i32, %arg1: i32, %arg2: memref<2048xi32, #tpu.memory_space<hbm>>, %arg3: memref<100000x384xf32, #tpu.memory_space<hbm>>, %arg4: memref<2048x384xf32, #tpu.memory_space<hbm>>, %arg5: memref<64xi32, #tpu.memory_space<vmem>>, %arg6: memref<64x384xf32, #tpu.memory_space<vmem>>, %arg7: memref<!tpu.dma_semaphore, #tpu.memory_space<semaphore_mem>>) attributes {dimension_semantics = [#tpu.dimension_semantics<core_parallel>, #tpu.dimension_semantics<subcore_parallel>], iteration_bounds = array<i64: 2, 16>, scalar_prefetch = 0 : i64, scratch_operands = 3 : i64, tpu.core_type = #tpu.core_type<sc_vector_subcore>, window_params = [{transform_indices = #map}, {transform_indices = #map1}, {transform_indices = #map1}]} {
    %mul3A = arith.constant 2 : i32
    %mul3A_0 = arith.muli %arg1, %mul3A : i32
    %add3A = arith.addi %mul3A_0, %arg0 : i32
    %mul3A_1 = arith.constant 64 : i32
    %mul3A_2 = arith.muli %add3A, %mul3A_1 : i32
    "tpu.region"() ({
      %run_scoped3A = tpu.sem_alloc : memref<!tpu.dma_semaphore, #tpu.memory_space<semaphore_mem>>
      %dma_start3A_7 = tpu.memref_slice %arg2[%mul3A_2] : memref<2048xi32, #tpu.memory_space<hbm>> -> memref<64xi32, #tpu.memory_space<hbm>>
      %dma_start3A_8 = tpu.memref_slice %arg2[%mul3A_2] : memref<2048xi32, #tpu.memory_space<hbm>> -> memref<64xi32, #tpu.memory_space<hbm>>
      tpu.enqueue_dma source(%dma_start3A_8 : memref<64xi32, #tpu.memory_space<hbm>>) target(%arg5 : memref<64xi32, #tpu.memory_space<vmem>>) target_semaphore(%run_scoped3A : memref<!tpu.dma_semaphore, #tpu.memory_space<semaphore_mem>>)
      %dma_wait3A_9 = tpu.memref_slice %arg2[%mul3A_2] : memref<2048xi32, #tpu.memory_space<hbm>> -> memref<64xi32, #tpu.memory_space<hbm>>
      %dma_wait3A_10 = tpu.memref_slice %arg2[%mul3A_2] : memref<2048xi32, #tpu.memory_space<hbm>> -> memref<64xi32, #tpu.memory_space<hbm>>
      tpu.wait_dma2 semaphore(%run_scoped3A : memref<!tpu.dma_semaphore, #tpu.memory_space<semaphore_mem>>) src(%dma_wait3A_10 : memref<64xi32, #tpu.memory_space<hbm>>) dst(%arg5 : memref<64xi32, #tpu.memory_space<vmem>>)
      tpu.yield
    }) : () -> ()
    %dma_start3A = arith.constant 0 : i32
    %dma_start3A_3 = arith.constant 0 : i32
    %dma_start3A_4 = tpu.memref_slice %arg3[%dma_start3A, %dma_start3A_3] : memref<100000x384xf32, #tpu.memory_space<hbm>> -> memref<100000x384xf32, #tpu.memory_space<hbm>>
    tpu.enqueue_indirect_dma source(%dma_start3A_4 : memref<100000x384xf32, #tpu.memory_space<hbm>>) target(%arg6 : memref<64x384xf32, #tpu.memory_space<vmem>>) offsets(%arg5 : memref<64xi32, #tpu.memory_space<vmem>>) semaphore(%arg7 : memref<!tpu.dma_semaphore, #tpu.memory_space<semaphore_mem>>)
    %dma_wait3A = arith.constant 0 : i32
    %dma_wait3A_5 = arith.constant 0 : i32
    %dma_wait3A_6 = tpu.memref_slice %arg3[%dma_wait3A, %dma_wait3A_5] : memref<100000x384xf32, #tpu.memory_space<hbm>> -> memref<100000x384xf32, #tpu.memory_space<hbm>>
    tpu.wait_indirect_dma semaphore(%arg7 : memref<!tpu.dma_semaphore, #tpu.memory_space<semaphore_mem>>) src(%dma_wait3A_6 : memref<100000x384xf32, #tpu.memory_space<hbm>>) dst(%arg6 : memref<64x384xf32, #tpu.memory_space<vmem>>)
    "tpu.region"() ({
      %run_scoped3A = tpu.sem_alloc : memref<!tpu.dma_semaphore, #tpu.memory_space<semaphore_mem>>
      %dma_start3A_7 = arith.constant 0 : i32
      %dma_start3A_8 = tpu.memref_slice %arg4[%mul3A_2, %dma_start3A_7] : memref<2048x384xf32, #tpu.memory_space<hbm>> -> memref<64x384xf32, #tpu.memory_space<hbm>>
      %dma_start3A_9 = arith.constant 0 : i32
      %dma_start3A_10 = tpu.memref_slice %arg4[%mul3A_2, %dma_start3A_9] : memref<2048x384xf32, #tpu.memory_space<hbm>> -> memref<64x384xf32, #tpu.memory_space<hbm>>
      tpu.enqueue_dma source(%arg6 : memref<64x384xf32, #tpu.memory_space<vmem>>) target(%dma_start3A_10 : memref<64x384xf32, #tpu.memory_space<hbm>>) target_semaphore(%run_scoped3A : memref<!tpu.dma_semaphore, #tpu.memory_space<semaphore_mem>>)
      %dma_wait3A_11 = arith.constant 0 : i32
      %dma_wait3A_12 = tpu.memref_slice %arg4[%mul3A_2, %dma_wait3A_11] : memref<2048x384xf32, #tpu.memory_space<hbm>> -> memref<64x384xf32, #tpu.memory_space<hbm>>
      %dma_wait3A_13 = arith.constant 0 : i32
      %dma_wait3A_14 = tpu.memref_slice %arg4[%mul3A_2, %dma_wait3A_13] : memref<2048x384xf32, #tpu.memory_space<hbm>> -> memref<64x384xf32, #tpu.memory_space<hbm>>
      tpu.wait_dma2 semaphore(%run_scoped3A : memref<!tpu.dma_semaphore, #tpu.memory_space<semaphore_mem>>) src(%arg6 : memref<64x384xf32, #tpu.memory_space<vmem>>) dst(%dma_wait3A_14 : memref<64x384xf32, #tpu.memory_space<hbm>>)
      tpu.yield
    }) : () -> ()
    return
  }
}

module attributes {stable_mosaic.version = 14 : i64} {
  func.func @_tc_relayout_body(%arg0: i32, %arg1: memref<256x4096xf32, #tpu.memory_space<vmem>>, %arg2: memref<16x4096xf32, #tpu.memory_space<vmem>>, %arg3: memref<4096x384xf32, #tpu.memory_space<vmem>>) attributes {dimension_semantics = [#tpu.dimension_semantics<parallel>], iteration_bounds = array<i64: 25>, scalar_prefetch = 0 : i64, scratch_operands = 0 : i64, tpu.core_type = #tpu.core_type<tc>, window_params = [{transform_indices = @transform_0, window_bounds = array<i64: 256, 4096>}, {transform_indices = @transform_1, window_bounds = array<i64: 16, 4096>}, {transform_indices = @transform_2, window_bounds = array<i64: 4096, 384>}]} {
    %get3A = arith.constant 0 : index
    %get3A_0 = arith.constant 0 : index
    %get3A_1 = vector.load %arg1[%get3A, %get3A_0] : memref<256x4096xf32, #tpu.memory_space<vmem>>, vector<256x4096xf32>
    %transpose3A = tpu.transpose %get3A_1, [1, 0] : vector<256x4096xf32> -> vector<4096x256xf32>
    %swap3A = arith.constant 0 : index
    %swap3A_2 = arith.constant 0 : index
    %swap3A_3 = vector.load %arg3[%swap3A, %swap3A_2] : memref<4096x384xf32, #tpu.memory_space<vmem>>, vector<4096x256xf32>
    tpu.vector_store %arg3[%swap3A, %swap3A_2], %transpose3A {strides = array<i32>} : memref<4096x384xf32, #tpu.memory_space<vmem>>, vector<4096x256xf32>,
    %get3A_4 = arith.constant 0 : index
    %get3A_5 = arith.constant 0 : index
    %get3A_6 = vector.load %arg2[%get3A_4, %get3A_5] : memref<16x4096xf32, #tpu.memory_space<vmem>>, vector<16x4096xf32>
    %transpose3A_7 = tpu.transpose %get3A_6, [1, 0] : vector<16x4096xf32> -> vector<4096x16xf32>
    %swap3A_8 = arith.constant 0 : index
    %swap3A_9 = arith.constant 256 : index
    %swap3A_10 = vector.load %arg3[%swap3A_8, %swap3A_9] : memref<4096x384xf32, #tpu.memory_space<vmem>>, vector<4096x16xf32>
    tpu.vector_store %arg3[%swap3A_8, %swap3A_9], %transpose3A_7 {strides = array<i32>} : memref<4096x384xf32, #tpu.memory_space<vmem>>, vector<4096x16xf32>,
    return
  }
  func.func @transform_0(%arg0: i32) -> (i32, i32) {
    %c0_i32 = arith.constant 0 : i32
    %c0_i32_0 = arith.constant 0 : i32
    return %c0_i32, %arg0 : i32, i32
  }
  func.func @transform_1(%arg0: i32) -> (i32, i32) {
    %c0_i32 = arith.constant 0 : i32
    %c0_i32_0 = arith.constant 0 : i32
    return %c0_i32, %arg0 : i32, i32
  }
  func.func @transform_2(%arg0: i32) -> (i32, i32) {
    %c0_i32 = arith.constant 0 : i32
    %c0_i32_0 = arith.constant 0 : i32
    return %arg0, %c0_i32 : i32, i32
  }
}

module attributes {stable_mosaic.version = 14 : i64} {
  func.func @_tc_matmul_body(%arg0: i32, %arg1: i32, %arg2: i32, %arg3: memref<256x128xf32, #tpu.memory_space<vmem>>, %arg4: memref<128x16xf32, #tpu.memory_space<vmem>>, %arg5: memref<1x16xf32, #tpu.memory_space<vmem>>, %arg6: memref<1x16xf32, #tpu.memory_space<vmem>>, %arg7: memref<1x16xf32, #tpu.memory_space<vmem>>, %arg8: memref<1x128x1024xf32, #tpu.memory_space<vmem>>, %arg9: memref<1x8x1024xf32, #tpu.memory_space<vmem>>, %arg10: memref<256x1x8x8x128xf32, #tpu.memory_space<vmem>>) attributes {dimension_semantics = [#tpu.dimension_semantics<parallel>, #tpu.dimension_semantics<parallel>, #tpu.dimension_semantics<parallel>], iteration_bounds = array<i64: 4, 2, 2>, scalar_prefetch = 0 : i64, scratch_operands = 0 : i64, tpu.core_type = #tpu.core_type<tc>, window_params = [{transform_indices = @transform_0, window_bounds = array<i64: 256, 128>}, {pipeline_mode = #tpu.pipeline_mode<synchronous>, transform_indices = @transform_1, window_bounds = array<i64: 128, 16>}, {pipeline_mode = #tpu.pipeline_mode<synchronous>, transform_indices = @transform_2, window_bounds = array<i64: 1, 16>}, {pipeline_mode = #tpu.pipeline_mode<synchronous>, transform_indices = @transform_3, window_bounds = array<i64: 1, 16>}, {pipeline_mode = #tpu.pipeline_mode<synchronous>, transform_indices = @transform_4, window_bounds = array<i64: 1, 16>}, {transform_indices = @transform_5, window_bounds = array<i64: 1, 128, 1024>}, {transform_indices = @transform_6, window_bounds = array<i64: 1, 8, 1024>}, {transform_indices = @transform_7, window_bounds = array<i64: 256, 1, 8, 8, 128>}]} {
    %get3A = arith.constant 0 : index
    %get3A_0 = arith.constant 0 : index
    %get3A_1 = vector.load %arg3[%get3A, %get3A_0] : memref<256x128xf32, #tpu.memory_space<vmem>>, vector<256x128xf32>
    %get3A_2 = arith.constant 0 : index
    %get3A_3 = arith.constant 0 : index
    %get3A_4 = vector.load %arg4[%get3A_2, %get3A_3] : memref<128x16xf32, #tpu.memory_space<vmem>>, vector<128x16xf32>
    %dot_general3A = arith.constant dense<0.000000e+00> : vector<256x16xf32>
    %dot_general3A_5 = tpu.matmul %get3A_1, %get3A_4, %dot_general3A {dimension_numbers = #tpu.dot_dimension_numbers<[1], [0], [0], [1], [0, 0, 1, 1], [], []>, transpose_lhs_hint = false} : vector<256x128xf32>, vector<128x16xf32>, vector<256x16xf32> -> vector<256x16xf32>
    %get3A_6 = arith.constant 0 : index
    %get3A_7 = arith.constant 0 : index
    %get3A_8 = vector.load %arg5[%get3A_6, %get3A_7] : memref<1x16xf32, #tpu.memory_space<vmem>>, vector<1x16xf32>
    %add3A = vector.broadcast %get3A_8 : vector<1x16xf32> to vector<256x16xf32>
    %add3A_9 = arith.addf %dot_general3A_5, %add3A : vector<256x16xf32>
    %max3A = arith.constant 0.000000e+00 : f32
    %max3A_10 = vector.broadcast %max3A : f32 to vector<256x16xf32>
    %max3A_11 = arith.maximumf %add3A_9, %max3A_10 : vector<256x16xf32>
    %get3A_12 = arith.constant 0 : index
    %get3A_13 = arith.constant 0 : index
    %get3A_14 = vector.load %arg6[%get3A_12, %get3A_13] : memref<1x16xf32, #tpu.memory_space<vmem>>, vector<1x16xf32>
    %mul3A = vector.broadcast %get3A_14 : vector<1x16xf32> to vector<256x16xf32>
    %mul3A_15 = arith.mulf %max3A_11, %mul3A : vector<256x16xf32>
    %get3A_16 = arith.constant 0 : index
    %get3A_17 = arith.constant 0 : index
    %get3A_18 = vector.load %arg7[%get3A_16, %get3A_17] : memref<1x16xf32, #tpu.memory_space<vmem>>, vector<1x16xf32>
    %add3A_19 = vector.broadcast %get3A_18 : vector<1x16xf32> to vector<256x16xf32>
    %add3A_20 = arith.addf %mul3A_15, %add3A_19 : vector<256x16xf32>
    %iota3A = tpu.iota {dimensions = array<i32: 0>} : vector<16x128xi32>
    %iota3A_21 = tpu.iota {dimensions = array<i32: 1>} : vector<16x128xi32>
    %jit3A = arith.constant 8 : i32
    %div3A = vector.broadcast %jit3A : i32 to vector<16x128xi32>
    %div3A_22 = arith.divsi %iota3A_21, %div3A : vector<16x128xi32>
    %sign3A = arith.constant 0 : i32
    %sign3A_23 = vector.broadcast %sign3A : i32 to vector<16x128xi32>
    %sign3A_24 = arith.cmpi sgt, %iota3A_21, %sign3A_23 : vector<16x128xi32>
    %sign3A_25 = arith.extui %sign3A_24 : vector<16x128xi1> to vector<16x128xi32>
    %sign3A_26 = arith.constant 0 : i32
    %sign3A_27 = vector.broadcast %sign3A_26 : i32 to vector<16x128xi32>
    %sign3A_28 = arith.cmpi slt, %iota3A_21, %sign3A_27 : vector<16x128xi32>
    %sign3A_29 = arith.extui %sign3A_28 : vector<16x128xi1> to vector<16x128xi32>
    %sign3A_30 = arith.subi %sign3A_25, %sign3A_29 : vector<16x128xi32>
    %sign3A_31 = arith.constant 0 : i32
    %sign3A_32 = arith.cmpi sgt, %jit3A, %sign3A_31 : i32
    %sign3A_33 = arith.extui %sign3A_32 : i1 to i32
    %sign3A_34 = arith.constant 0 : i32
    %sign3A_35 = arith.cmpi slt, %jit3A, %sign3A_34 : i32
    %sign3A_36 = arith.extui %sign3A_35 : i1 to i32
    %sign3A_37 = arith.subi %sign3A_33, %sign3A_36 : i32
    %ne3A = vector.broadcast %sign3A_37 : i32 to vector<16x128xi32>
    %ne3A_38 = arith.cmpi ne, %sign3A_30, %ne3A : vector<16x128xi32>
    %rem3A = vector.broadcast %jit3A : i32 to vector<16x128xi32>
    %rem3A_39 = arith.remsi %iota3A_21, %rem3A : vector<16x128xi32>
    %ne3A_40 = arith.constant 0 : i32
    %ne3A_41 = vector.broadcast %ne3A_40 : i32 to vector<16x128xi32>
    %ne3A_42 = arith.cmpi ne, %rem3A_39, %ne3A_41 : vector<16x128xi32>
    %and3A = arith.andi %ne3A_38, %ne3A_42 : vector<16x128xi1>
    %sub3A = arith.constant 1 : i32
    %sub3A_43 = vector.broadcast %sub3A : i32 to vector<16x128xi32>
    %sub3A_44 = arith.subi %div3A_22, %sub3A_43 : vector<16x128xi32>
    %select_n3A = arith.select %and3A, %sub3A_44, %div3A_22 : vector<16x128xi1>, vector<16x128xi32>
    %eq3A = arith.cmpi eq, %iota3A, %select_n3A : vector<16x128xi32>
    %jit3A_45 = arith.constant 1.000000e+00 : f32
    %jit3A_46 = arith.constant 0.000000e+00 : f32
    %broadcast_in_dim3A = vector.broadcast %jit3A_45 : f32 to vector<16x128xf32>
    %broadcast_in_dim3A_47 = vector.broadcast %jit3A_46 : f32 to vector<16x128xf32>
    %select_n3A_48 = arith.select %eq3A, %broadcast_in_dim3A, %broadcast_in_dim3A_47 : vector<16x128xi1>, vector<16x128xf32>
    %dot_general3A_49 = arith.constant dense<0.000000e+00> : vector<256x128xf32>
    %dot_general3A_50 = tpu.matmul %add3A_20, %select_n3A_48, %dot_general3A_49 {dimension_numbers = #tpu.dot_dimension_numbers<[1], [0], [0], [1], [0, 0, 1, 1], [], []>, transpose_lhs_hint = false} : vector<256x16xf32>, vector<16x128xf32>, vector<256x128xf32> -> vector<256x128xf32>
    %broadcast_in_dim3A_51 = vector.shape_cast %dot_general3A_50 : vector<256x128xf32> to vector<256x1x128xf32>
    %broadcast_in_dim3A_52 = vector.shape_cast %broadcast_in_dim3A_51 : vector<256x1x128xf32> to vector<256x1x128xf32>
    %broadcast_in_dim3A_53 = vector.broadcast %broadcast_in_dim3A_52 : vector<256x1x128xf32> to vector<256x8x128xf32>
    %reshape3A = vector.shape_cast %broadcast_in_dim3A_53 : vector<256x8x128xf32> to vector<2048x128xf32>
    %iota3A_54 = tpu.iota {dimensions = array<i32: 0>} : vector<2048x128xi32>
    %jit3A_55 = arith.constant 8 : i32
    %eq3A_56 = arith.constant 0 : i32
    %eq3A_57 = arith.cmpi eq, %jit3A_55, %eq3A_56 : i32
    %jit3A_58 = arith.constant 1 : i32
    %select_n3A_59 = arith.select %eq3A_57, %jit3A_58, %jit3A_55 : i32
    %rem3A_60 = vector.broadcast %select_n3A_59 : i32 to vector<2048x128xi32>
    %rem3A_61 = arith.remsi %iota3A_54, %rem3A_60 : vector<2048x128xi32>
    %ne3A_62 = arith.constant 0 : i32
    %ne3A_63 = vector.broadcast %ne3A_62 : i32 to vector<2048x128xi32>
    %ne3A_64 = arith.cmpi ne, %rem3A_61, %ne3A_63 : vector<2048x128xi32>
    %lt3A = arith.constant 0 : i32
    %lt3A_65 = vector.broadcast %lt3A : i32 to vector<2048x128xi32>
    %lt3A_66 = arith.cmpi slt, %rem3A_61, %lt3A_65 : vector<2048x128xi32>
    %lt3A_67 = arith.constant 0 : i32
    %lt3A_68 = arith.cmpi slt, %select_n3A_59, %lt3A_67 : i32
    %ne3A_69 = vector.broadcast %lt3A_68 : i1 to vector<2048x128xi1>
    %ne3A_70 = vector.broadcast %ne3A_69 : vector<2048x128xi1> to vector<2048x128xi1>
    %ne3A_71 = arith.xori %lt3A_66, %ne3A_70 : vector<2048x128xi1>
    %and3A_72 = arith.andi %ne3A_71, %ne3A_64 : vector<2048x128xi1>
    %add3A_73 = vector.broadcast %select_n3A_59 : i32 to vector<2048x128xi32>
    %add3A_74 = arith.addi %rem3A_61, %add3A_73 : vector<2048x128xi32>
    %select_n3A_75 = arith.select %and3A_72, %add3A_74, %rem3A_61 : vector<2048x128xi1>, vector<2048x128xi32>
    %iota3A_76 = tpu.iota {dimensions = array<i32: 1>} : vector<2048x128xi32>
    %jit3A_77 = arith.constant 8 : i32
    %eq3A_78 = arith.constant 0 : i32
    %eq3A_79 = arith.cmpi eq, %jit3A_77, %eq3A_78 : i32
    %jit3A_80 = arith.constant 1 : i32
    %select_n3A_81 = arith.select %eq3A_79, %jit3A_80, %jit3A_77 : i32
    %rem3A_82 = vector.broadcast %select_n3A_81 : i32 to vector<2048x128xi32>
    %rem3A_83 = arith.remsi %iota3A_76, %rem3A_82 : vector<2048x128xi32>
    %ne3A_84 = arith.constant 0 : i32
    %ne3A_85 = vector.broadcast %ne3A_84 : i32 to vector<2048x128xi32>
    %ne3A_86 = arith.cmpi ne, %rem3A_83, %ne3A_85 : vector<2048x128xi32>
    %lt3A_87 = arith.constant 0 : i32
    %lt3A_88 = vector.broadcast %lt3A_87 : i32 to vector<2048x128xi32>
    %lt3A_89 = arith.cmpi slt, %rem3A_83, %lt3A_88 : vector<2048x128xi32>
    %lt3A_90 = arith.constant 0 : i32
    %lt3A_91 = arith.cmpi slt, %select_n3A_81, %lt3A_90 : i32
    %ne3A_92 = vector.broadcast %lt3A_91 : i1 to vector<2048x128xi1>
    %ne3A_93 = vector.broadcast %ne3A_92 : vector<2048x128xi1> to vector<2048x128xi1>
    %ne3A_94 = arith.xori %lt3A_89, %ne3A_93 : vector<2048x128xi1>
    %and3A_95 = arith.andi %ne3A_94, %ne3A_86 : vector<2048x128xi1>
    %add3A_96 = vector.broadcast %select_n3A_81 : i32 to vector<2048x128xi32>
    %add3A_97 = arith.addi %rem3A_83, %add3A_96 : vector<2048x128xi32>
    %select_n3A_98 = arith.select %and3A_95, %add3A_97, %rem3A_83 : vector<2048x128xi1>, vector<2048x128xi32>
    %eq3A_99 = arith.cmpi eq, %select_n3A_75, %select_n3A_98 : vector<2048x128xi32>
    %jit3A_100 = arith.constant 0.000000e+00 : f32
    %broadcast_in_dim3A_101 = vector.broadcast %jit3A_100 : f32 to vector<2048x128xf32>
    %select_n3A_102 = arith.select %eq3A_99, %reshape3A, %broadcast_in_dim3A_101 : vector<2048x128xi1>, vector<2048x128xf32>
    %get3A_103 = arith.constant 0 : index
    %get3A_104 = arith.constant 0 : index
    %get3A_105 = arith.constant 0 : index
    %get3A_106 = vector.load %arg8[%get3A_103, %get3A_104, %get3A_105] : memref<1x128x1024xf32, #tpu.memory_space<vmem>>, vector<1x128x1024xf32>
    %get3A_107 = vector.shape_cast %get3A_106 : vector<1x128x1024xf32> to vector<128x1024xf32>
    %dot_general3A_108 = arith.constant dense<0.000000e+00> : vector<2048x1024xf32>
    %dot_general3A_109 = tpu.matmul %select_n3A_102, %get3A_107, %dot_general3A_108 {dimension_numbers = #tpu.dot_dimension_numbers<[1], [0], [0], [1], [0, 0, 1, 1], [], []>, transpose_lhs_hint = false} : vector<2048x128xf32>, vector<128x1024xf32>, vector<2048x1024xf32> -> vector<2048x1024xf32>
    %get3A_110 = arith.constant 0 : index
    %get3A_111 = arith.constant 0 : index
    %get3A_112 = arith.constant 0 : index
    %get3A_113 = vector.load %arg9[%get3A_110, %get3A_111, %get3A_112] : memref<1x8x1024xf32, #tpu.memory_space<vmem>>, vector<1x8x1024xf32>
    %get3A_114 = vector.shape_cast %get3A_113 : vector<1x8x1024xf32> to vector<8x1024xf32>
    %broadcast_in_dim3A_115 = vector.shape_cast %get3A_114 : vector<8x1024xf32> to vector<1x8x1024xf32>
    %broadcast_in_dim3A_116 = vector.shape_cast %broadcast_in_dim3A_115 : vector<1x8x1024xf32> to vector<1x8x1024xf32>
    %broadcast_in_dim3A_117 = vector.broadcast %broadcast_in_dim3A_116 : vector<1x8x1024xf32> to vector<256x8x1024xf32>
    %reshape3A_118 = vector.shape_cast %broadcast_in_dim3A_117 : vector<256x8x1024xf32> to vector<2048x1024xf32>
    %add3A_119 = arith.addf %dot_general3A_109, %reshape3A_118 : vector<2048x1024xf32>
    %slice3A = vector.extract_strided_slice %add3A_119 {offsets = [0, 0], sizes = [2048, 128], strides = [1, 1]} : vector<2048x1024xf32> to vector<2048x128xf32>
    %reshape3A_120 = vector.shape_cast %slice3A : vector<2048x128xf32> to vector<256x8x128xf32>
    %swap3A = arith.constant 0 : index
    %swap3A_121 = arith.constant 0 : index
    %swap3A_122 = arith.constant 0 : index
    %swap3A_123 = arith.constant 0 : index
    %swap3A_124 = arith.constant 0 : index
    %swap3A_125 = vector.load %arg10[%swap3A, %swap3A_121, %swap3A_122, %swap3A_123, %swap3A_124] : memref<256x1x8x8x128xf32, #tpu.memory_space<vmem>>, vector<256x1x1x8x128xf32>
    %swap3A_126 = vector.shape_cast %swap3A_125 : vector<256x1x1x8x128xf32> to vector<256x8x128xf32>
    %swap3A_127 = vector.shape_cast %reshape3A_120 : vector<256x8x128xf32> to vector<256x1x1x8x128xf32>
    tpu.vector_store %arg10[%swap3A, %swap3A_121, %swap3A_122, %swap3A_123, %swap3A_124], %swap3A_127 {strides = array<i32>} : memref<256x1x8x8x128xf32, #tpu.memory_space<vmem>>, vector<256x1x1x8x128xf32>,
    %slice3A_128 = vector.extract_strided_slice %add3A_119 {offsets = [0, 128], sizes = [2048, 128], strides = [1, 1]} : vector<2048x1024xf32> to vector<2048x128xf32>
    %reshape3A_129 = vector.shape_cast %slice3A_128 : vector<2048x128xf32> to vector<256x8x128xf32>
    %swap3A_130 = arith.constant 0 : index
    %swap3A_131 = arith.constant 0 : index
    %swap3A_132 = arith.constant 1 : index
    %swap3A_133 = arith.constant 0 : index
    %swap3A_134 = arith.constant 0 : index
    %swap3A_135 = vector.load %arg10[%swap3A_130, %swap3A_131, %swap3A_132, %swap3A_133, %swap3A_134] : memref<256x1x8x8x128xf32, #tpu.memory_space<vmem>>, vector<256x1x1x8x128xf32>
    %swap3A_136 = vector.shape_cast %swap3A_135 : vector<256x1x1x8x128xf32> to vector<256x8x128xf32>
    %swap3A_137 = vector.shape_cast %reshape3A_129 : vector<256x8x128xf32> to vector<256x1x1x8x128xf32>
    tpu.vector_store %arg10[%swap3A_130, %swap3A_131, %swap3A_132, %swap3A_133, %swap3A_134], %swap3A_137 {strides = array<i32>} : memref<256x1x8x8x128xf32, #tpu.memory_space<vmem>>, vector<256x1x1x8x128xf32>,
    %slice3A_138 = vector.extract_strided_slice %add3A_119 {offsets = [0, 256], sizes = [2048, 128], strides = [1, 1]} : vector<2048x1024xf32> to vector<2048x128xf32>
    %reshape3A_139 = vector.shape_cast %slice3A_138 : vector<2048x128xf32> to vector<256x8x128xf32>
    %swap3A_140 = arith.constant 0 : index
    %swap3A_141 = arith.constant 0 : index
    %swap3A_142 = arith.constant 2 : index
    %swap3A_143 = arith.constant 0 : index
    %swap3A_144 = arith.constant 0 : index
    %swap3A_145 = vector.load %arg10[%swap3A_140, %swap3A_141, %swap3A_142, %swap3A_143, %swap3A_144] : memref<256x1x8x8x128xf32, #tpu.memory_space<vmem>>, vector<256x1x1x8x128xf32>
    %swap3A_146 = vector.shape_cast %swap3A_145 : vector<256x1x1x8x128xf32> to vector<256x8x128xf32>
    %swap3A_147 = vector.shape_cast %reshape3A_139 : vector<256x8x128xf32> to vector<256x1x1x8x128xf32>
    tpu.vector_store %arg10[%swap3A_140, %swap3A_141, %swap3A_142, %swap3A_143, %swap3A_144], %swap3A_147 {strides = array<i32>} : memref<256x1x8x8x128xf32, #tpu.memory_space<vmem>>, vector<256x1x1x8x128xf32>,
    %slice3A_148 = vector.extract_strided_slice %add3A_119 {offsets = [0, 384], sizes = [2048, 128], strides = [1, 1]} : vector<2048x1024xf32> to vector<2048x128xf32>
    %reshape3A_149 = vector.shape_cast %slice3A_148 : vector<2048x128xf32> to vector<256x8x128xf32>
    %swap3A_150 = arith.constant 0 : index
    %swap3A_151 = arith.constant 0 : index
    %swap3A_152 = arith.constant 3 : index
    %swap3A_153 = arith.constant 0 : index
    %swap3A_154 = arith.constant 0 : index
    %swap3A_155 = vector.load %arg10[%swap3A_150, %swap3A_151, %swap3A_152, %swap3A_153, %swap3A_154] : memref<256x1x8x8x128xf32, #tpu.memory_space<vmem>>, vector<256x1x1x8x128xf32>
    %swap3A_156 = vector.shape_cast %swap3A_155 : vector<256x1x1x8x128xf32> to vector<256x8x128xf32>
    %swap3A_157 = vector.shape_cast %reshape3A_149 : vector<256x8x128xf32> to vector<256x1x1x8x128xf32>
    tpu.vector_store %arg10[%swap3A_150, %swap3A_151, %swap3A_152, %swap3A_153, %swap3A_154], %swap3A_157 {strides = array<i32>} : memref<256x1x8x8x128xf32, #tpu.memory_space<vmem>>, vector<256x1x1x8x128xf32>,
    %slice3A_158 = vector.extract_strided_slice %add3A_119 {offsets = [0, 512], sizes = [2048, 128], strides = [1, 1]} : vector<2048x1024xf32> to vector<2048x128xf32>
    %reshape3A_159 = vector.shape_cast %slice3A_158 : vector<2048x128xf32> to vector<256x8x128xf32>
    %swap3A_160 = arith.constant 0 : index
    %swap3A_161 = arith.constant 0 : index
    %swap3A_162 = arith.constant 4 : index
    %swap3A_163 = arith.constant 0 : index
    %swap3A_164 = arith.constant 0 : index
    %swap3A_165 = vector.load %arg10[%swap3A_160, %swap3A_161, %swap3A_162, %swap3A_163, %swap3A_164] : memref<256x1x8x8x128xf32, #tpu.memory_space<vmem>>, vector<256x1x1x8x128xf32>
    %swap3A_166 = vector.shape_cast %swap3A_165 : vector<256x1x1x8x128xf32> to vector<256x8x128xf32>
    %swap3A_167 = vector.shape_cast %reshape3A_159 : vector<256x8x128xf32> to vector<256x1x1x8x128xf32>
    tpu.vector_store %arg10[%swap3A_160, %swap3A_161, %swap3A_162, %swap3A_163, %swap3A_164], %swap3A_167 {strides = array<i32>} : memref<256x1x8x8x128xf32, #tpu.memory_space<vmem>>, vector<256x1x1x8x128xf32>,
    %slice3A_168 = vector.extract_strided_slice %add3A_119 {offsets = [0, 640], sizes = [2048, 128], strides = [1, 1]} : vector<2048x1024xf32> to vector<2048x128xf32>
    %reshape3A_169 = vector.shape_cast %slice3A_168 : vector<2048x128xf32> to vector<256x8x128xf32>
    %swap3A_170 = arith.constant 0 : index
    %swap3A_171 = arith.constant 0 : index
    %swap3A_172 = arith.constant 5 : index
    %swap3A_173 = arith.constant 0 : index
    %swap3A_174 = arith.constant 0 : index
    %swap3A_175 = vector.load %arg10[%swap3A_170, %swap3A_171, %swap3A_172, %swap3A_173, %swap3A_174] : memref<256x1x8x8x128xf32, #tpu.memory_space<vmem>>, vector<256x1x1x8x128xf32>
    %swap3A_176 = vector.shape_cast %swap3A_175 : vector<256x1x1x8x128xf32> to vector<256x8x128xf32>
    %swap3A_177 = vector.shape_cast %reshape3A_169 : vector<256x8x128xf32> to vector<256x1x1x8x128xf32>
    tpu.vector_store %arg10[%swap3A_170, %swap3A_171, %swap3A_172, %swap3A_173, %swap3A_174], %swap3A_177 {strides = array<i32>} : memref<256x1x8x8x128xf32, #tpu.memory_space<vmem>>, vector<256x1x1x8x128xf32>,
    %slice3A_178 = vector.extract_strided_slice %add3A_119 {offsets = [0, 768], sizes = [2048, 128], strides = [1, 1]} : vector<2048x1024xf32> to vector<2048x128xf32>
    %reshape3A_179 = vector.shape_cast %slice3A_178 : vector<2048x128xf32> to vector<256x8x128xf32>
    %swap3A_180 = arith.constant 0 : index
    %swap3A_181 = arith.constant 0 : index
    %swap3A_182 = arith.constant 6 : index
    %swap3A_183 = arith.constant 0 : index
    %swap3A_184 = arith.constant 0 : index
    %swap3A_185 = vector.load %arg10[%swap3A_180, %swap3A_181, %swap3A_182, %swap3A_183, %swap3A_184] : memref<256x1x8x8x128xf32, #tpu.memory_space<vmem>>, vector<256x1x1x8x128xf32>
    %swap3A_186 = vector.shape_cast %swap3A_185 : vector<256x1x1x8x128xf32> to vector<256x8x128xf32>
    %swap3A_187 = vector.shape_cast %reshape3A_179 : vector<256x8x128xf32> to vector<256x1x1x8x128xf32>
    tpu.vector_store %arg10[%swap3A_180, %swap3A_181, %swap3A_182, %swap3A_183, %swap3A_184], %swap3A_187 {strides = array<i32>} : memref<256x1x8x8x128xf32, #tpu.memory_space<vmem>>, vector<256x1x1x8x128xf32>,
    %slice3A_188 = vector.extract_strided_slice %add3A_119 {offsets = [0, 896], sizes = [2048, 128], strides = [1, 1]} : vector<2048x1024xf32> to vector<2048x128xf32>
    %reshape3A_189 = vector.shape_cast %slice3A_188 : vector<2048x128xf32> to vector<256x8x128xf32>
    %swap3A_190 = arith.constant 0 : index
    %swap3A_191 = arith.constant 0 : index
    %swap3A_192 = arith.constant 7 : index
    %swap3A_193 = arith.constant 0 : index
    %swap3A_194 = arith.constant 0 : index
    %swap3A_195 = vector.load %arg10[%swap3A_190, %swap3A_191, %swap3A_192, %swap3A_193, %swap3A_194] : memref<256x1x8x8x128xf32, #tpu.memory_space<vmem>>, vector<256x1x1x8x128xf32>
    %swap3A_196 = vector.shape_cast %swap3A_195 : vector<256x1x1x8x128xf32> to vector<256x8x128xf32>
    %swap3A_197 = vector.shape_cast %reshape3A_189 : vector<256x8x128xf32> to vector<256x1x1x8x128xf32>
    tpu.vector_store %arg10[%swap3A_190, %swap3A_191, %swap3A_192, %swap3A_193, %swap3A_194], %swap3A_197 {strides = array<i32>} : memref<256x1x8x8x128xf32, #tpu.memory_space<vmem>>, vector<256x1x1x8x128xf32>,
    return
  }
  func.func @transform_0(%arg0: i32, %arg1: i32, %arg2: i32) -> (i32, i32) {
    %c0_i32 = arith.constant 0 : i32
    %c0_i32_0 = arith.constant 0 : i32
    return %arg0, %c0_i32 : i32, i32
  }
  func.func @transform_1(%arg0: i32, %arg1: i32, %arg2: i32) -> (i32, i32) {
    %c0_i32 = arith.constant 0 : i32
    %c0_i32_0 = arith.constant 0 : i32
    %c0_i32_1 = arith.constant 0 : i32
    return %c0_i32, %c0_i32_0 : i32, i32
  }
  func.func @transform_2(%arg0: i32, %arg1: i32, %arg2: i32) -> (i32, i32) {
    %c0_i32 = arith.constant 0 : i32
    %c0_i32_0 = arith.constant 0 : i32
    %c0_i32_1 = arith.constant 0 : i32
    return %c0_i32, %c0_i32_0 : i32, i32
  }
  func.func @transform_3(%arg0: i32, %arg1: i32, %arg2: i32) -> (i32, i32) {
    %c0_i32 = arith.constant 0 : i32
    %c0_i32_0 = arith.constant 0 : i32
    %c0_i32_1 = arith.constant 0 : i32
    return %c0_i32, %c0_i32_0 : i32, i32
  }
  func.func @transform_4(%arg0: i32, %arg1: i32, %arg2: i32) -> (i32, i32) {
    %c0_i32 = arith.constant 0 : i32
    %c0_i32_0 = arith.constant 0 : i32
    %c0_i32_1 = arith.constant 0 : i32
    return %c0_i32, %c0_i32_0 : i32, i32
  }
  func.func @transform_5(%arg0: i32, %arg1: i32, %arg2: i32) -> (i32, i32, i32) {
    %c0_i32 = arith.constant 0 : i32
    %c0_i32_0 = arith.constant 0 : i32
    return %arg1, %c0_i32, %arg2 : i32, i32, i32
  }
  func.func @transform_6(%arg0: i32, %arg1: i32, %arg2: i32) -> (i32, i32, i32) {
    %c0_i32 = arith.constant 0 : i32
    %c0_i32_0 = arith.constant 0 : i32
    return %arg1, %c0_i32, %arg2 : i32, i32, i32
  }
  func.func @transform_7(%arg0: i32, %arg1: i32, %arg2: i32) -> (i32, i32, i32, i32, i32) {
    %c0_i32 = arith.constant 0 : i32
    %c0_i32_0 = arith.constant 0 : i32
    %c0_i32_1 = arith.constant 0 : i32
    return %arg0, %arg1, %arg2, %c0_i32, %c0_i32_0 : i32, i32, i32, i32, i32
  }
}

module attributes {stable_mosaic.version = 14 : i64} {
  func.func @_tc_transpose_body(%arg0: memref<2048x384xf32, #tpu.memory_space<vmem>>, %arg1: memref<2x128x2048xf32, #tpu.memory_space<vmem>>, %arg2: memref<16x2048xf32, #tpu.memory_space<vmem>>) attributes {dimension_semantics = [], scalar_prefetch = 0 : i64, scratch_operands = 0 : i64, tpu.core_type = #tpu.core_type<tc>} {
    %get3A = arith.constant 0 : index
    %get3A_0 = arith.constant 0 : index
    %get3A_1 = vector.load %arg0[%get3A, %get3A_0] : memref<2048x384xf32, #tpu.memory_space<vmem>>, vector<2048x384xf32>
    %slice3A = vector.extract_strided_slice %get3A_1 {offsets = [0, 0], sizes = [2048, 256], strides = [1, 1]} : vector<2048x384xf32> to vector<2048x256xf32>
    %transpose3A = tpu.transpose %slice3A, [1, 0] : vector<2048x256xf32> -> vector<256x2048xf32>
    %slice3A_2 = vector.extract_strided_slice %transpose3A {offsets = [0, 0], sizes = [8, 2048], strides = [1, 1]} : vector<256x2048xf32> to vector<8x2048xf32>
    %swap3A = arith.constant 0 : index
    %swap3A_3 = arith.constant 0 : index
    %swap3A_4 = arith.constant 0 : index
    %swap3A_5 = vector.load %arg1[%swap3A, %swap3A_3, %swap3A_4] : memref<2x128x2048xf32, #tpu.memory_space<vmem>>, vector<1x8x2048xf32>
    %swap3A_6 = vector.shape_cast %swap3A_5 : vector<1x8x2048xf32> to vector<8x2048xf32>
    %swap3A_7 = vector.shape_cast %slice3A_2 : vector<8x2048xf32> to vector<1x8x2048xf32>
    tpu.vector_store %arg1[%swap3A, %swap3A_3, %swap3A_4], %swap3A_7 {strides = array<i32>} : memref<2x128x2048xf32, #tpu.memory_space<vmem>>, vector<1x8x2048xf32>,
    %slice3A_8 = vector.extract_strided_slice %transpose3A {offsets = [16, 0], sizes = [8, 2048], strides = [1, 1]} : vector<256x2048xf32> to vector<8x2048xf32>
    %swap3A_9 = arith.constant 0 : index
    %swap3A_10 = arith.constant 8 : index
    %swap3A_11 = arith.constant 0 : index
    %swap3A_12 = vector.load %arg1[%swap3A_9, %swap3A_10, %swap3A_11] : memref<2x128x2048xf32, #tpu.memory_space<vmem>>, vector<1x8x2048xf32>
    %swap3A_13 = vector.shape_cast %swap3A_12 : vector<1x8x2048xf32> to vector<8x2048xf32>
    %swap3A_14 = vector.shape_cast %slice3A_8 : vector<8x2048xf32> to vector<1x8x2048xf32>
    tpu.vector_store %arg1[%swap3A_9, %swap3A_10, %swap3A_11], %swap3A_14 {strides = array<i32>} : memref<2x128x2048xf32, #tpu.memory_space<vmem>>, vector<1x8x2048xf32>,
    %slice3A_15 = vector.extract_strided_slice %transpose3A {offsets = [32, 0], sizes = [8, 2048], strides = [1, 1]} : vector<256x2048xf32> to vector<8x2048xf32>
    %swap3A_16 = arith.constant 0 : index
    %swap3A_17 = arith.constant 16 : index
    %swap3A_18 = arith.constant 0 : index
    %swap3A_19 = vector.load %arg1[%swap3A_16, %swap3A_17, %swap3A_18] : memref<2x128x2048xf32, #tpu.memory_space<vmem>>, vector<1x8x2048xf32>
    %swap3A_20 = vector.shape_cast %swap3A_19 : vector<1x8x2048xf32> to vector<8x2048xf32>
    %swap3A_21 = vector.shape_cast %slice3A_15 : vector<8x2048xf32> to vector<1x8x2048xf32>
    tpu.vector_store %arg1[%swap3A_16, %swap3A_17, %swap3A_18], %swap3A_21 {strides = array<i32>} : memref<2x128x2048xf32, #tpu.memory_space<vmem>>, vector<1x8x2048xf32>,
    %slice3A_22 = vector.extract_strided_slice %transpose3A {offsets = [48, 0], sizes = [8, 2048], strides = [1, 1]} : vector<256x2048xf32> to vector<8x2048xf32>
    %swap3A_23 = arith.constant 0 : index
    %swap3A_24 = arith.constant 24 : index
    %swap3A_25 = arith.constant 0 : index
    %swap3A_26 = vector.load %arg1[%swap3A_23, %swap3A_24, %swap3A_25] : memref<2x128x2048xf32, #tpu.memory_space<vmem>>, vector<1x8x2048xf32>
    %swap3A_27 = vector.shape_cast %swap3A_26 : vector<1x8x2048xf32> to vector<8x2048xf32>
    %swap3A_28 = vector.shape_cast %slice3A_22 : vector<8x2048xf32> to vector<1x8x2048xf32>
    tpu.vector_store %arg1[%swap3A_23, %swap3A_24, %swap3A_25], %swap3A_28 {strides = array<i32>} : memref<2x128x2048xf32, #tpu.memory_space<vmem>>, vector<1x8x2048xf32>,
    %slice3A_29 = vector.extract_strided_slice %transpose3A {offsets = [64, 0], sizes = [8, 2048], strides = [1, 1]} : vector<256x2048xf32> to vector<8x2048xf32>
    %swap3A_30 = arith.constant 0 : index
    %swap3A_31 = arith.constant 32 : index
    %swap3A_32 = arith.constant 0 : index
    %swap3A_33 = vector.load %arg1[%swap3A_30, %swap3A_31, %swap3A_32] : memref<2x128x2048xf32, #tpu.memory_space<vmem>>, vector<1x8x2048xf32>
    %swap3A_34 = vector.shape_cast %swap3A_33 : vector<1x8x2048xf32> to vector<8x2048xf32>
    %swap3A_35 = vector.shape_cast %slice3A_29 : vector<8x2048xf32> to vector<1x8x2048xf32>
    tpu.vector_store %arg1[%swap3A_30, %swap3A_31, %swap3A_32], %swap3A_35 {strides = array<i32>} : memref<2x128x2048xf32, #tpu.memory_space<vmem>>, vector<1x8x2048xf32>,
    %slice3A_36 = vector.extract_strided_slice %transpose3A {offsets = [80, 0], sizes = [8, 2048], strides = [1, 1]} : vector<256x2048xf32> to vector<8x2048xf32>
    %swap3A_37 = arith.constant 0 : index
    %swap3A_38 = arith.constant 40 : index
    %swap3A_39 = arith.constant 0 : index
    %swap3A_40 = vector.load %arg1[%swap3A_37, %swap3A_38, %swap3A_39] : memref<2x128x2048xf32, #tpu.memory_space<vmem>>, vector<1x8x2048xf32>
    %swap3A_41 = vector.shape_cast %swap3A_40 : vector<1x8x2048xf32> to vector<8x2048xf32>
    %swap3A_42 = vector.shape_cast %slice3A_36 : vector<8x2048xf32> to vector<1x8x2048xf32>
    tpu.vector_store %arg1[%swap3A_37, %swap3A_38, %swap3A_39], %swap3A_42 {strides = array<i32>} : memref<2x128x2048xf32, #tpu.memory_space<vmem>>, vector<1x8x2048xf32>,
    %slice3A_43 = vector.extract_strided_slice %transpose3A {offsets = [96, 0], sizes = [8, 2048], strides = [1, 1]} : vector<256x2048xf32> to vector<8x2048xf32>
    %swap3A_44 = arith.constant 0 : index
    %swap3A_45 = arith.constant 48 : index
    %swap3A_46 = arith.constant 0 : index
    %swap3A_47 = vector.load %arg1[%swap3A_44, %swap3A_45, %swap3A_46] : memref<2x128x2048xf32, #tpu.memory_space<vmem>>, vector<1x8x2048xf32>
    %swap3A_48 = vector.shape_cast %swap3A_47 : vector<1x8x2048xf32> to vector<8x2048xf32>
    %swap3A_49 = vector.shape_cast %slice3A_43 : vector<8x2048xf32> to vector<1x8x2048xf32>
    tpu.vector_store %arg1[%swap3A_44, %swap3A_45, %swap3A_46], %swap3A_49 {strides = array<i32>} : memref<2x128x2048xf32, #tpu.memory_space<vmem>>, vector<1x8x2048xf32>,
    %slice3A_50 = vector.extract_strided_slice %transpose3A {offsets = [112, 0], sizes = [8, 2048], strides = [1, 1]} : vector<256x2048xf32> to vector<8x2048xf32>
    %swap3A_51 = arith.constant 0 : index
    %swap3A_52 = arith.constant 56 : index
    %swap3A_53 = arith.constant 0 : index
    %swap3A_54 = vector.load %arg1[%swap3A_51, %swap3A_52, %swap3A_53] : memref<2x128x2048xf32, #tpu.memory_space<vmem>>, vector<1x8x2048xf32>
    %swap3A_55 = vector.shape_cast %swap3A_54 : vector<1x8x2048xf32> to vector<8x2048xf32>
    %swap3A_56 = vector.shape_cast %slice3A_50 : vector<8x2048xf32> to vector<1x8x2048xf32>
    tpu.vector_store %arg1[%swap3A_51, %swap3A_52, %swap3A_53], %swap3A_56 {strides = array<i32>} : memref<2x128x2048xf32, #tpu.memory_space<vmem>>, vector<1x8x2048xf32>,
    %slice3A_57 = vector.extract_strided_slice %transpose3A {offsets = [128, 0], sizes = [8, 2048], strides = [1, 1]} : vector<256x2048xf32> to vector<8x2048xf32>
    %swap3A_58 = arith.constant 0 : index
    %swap3A_59 = arith.constant 64 : index
    %swap3A_60 = arith.constant 0 : index
    %swap3A_61 = vector.load %arg1[%swap3A_58, %swap3A_59, %swap3A_60] : memref<2x128x2048xf32, #tpu.memory_space<vmem>>, vector<1x8x2048xf32>
    %swap3A_62 = vector.shape_cast %swap3A_61 : vector<1x8x2048xf32> to vector<8x2048xf32>
    %swap3A_63 = vector.shape_cast %slice3A_57 : vector<8x2048xf32> to vector<1x8x2048xf32>
    tpu.vector_store %arg1[%swap3A_58, %swap3A_59, %swap3A_60], %swap3A_63 {strides = array<i32>} : memref<2x128x2048xf32, #tpu.memory_space<vmem>>, vector<1x8x2048xf32>,
    %slice3A_64 = vector.extract_strided_slice %transpose3A {offsets = [144, 0], sizes = [8, 2048], strides = [1, 1]} : vector<256x2048xf32> to vector<8x2048xf32>
    %swap3A_65 = arith.constant 0 : index
    %swap3A_66 = arith.constant 72 : index
    %swap3A_67 = arith.constant 0 : index
    %swap3A_68 = vector.load %arg1[%swap3A_65, %swap3A_66, %swap3A_67] : memref<2x128x2048xf32, #tpu.memory_space<vmem>>, vector<1x8x2048xf32>
    %swap3A_69 = vector.shape_cast %swap3A_68 : vector<1x8x2048xf32> to vector<8x2048xf32>
    %swap3A_70 = vector.shape_cast %slice3A_64 : vector<8x2048xf32> to vector<1x8x2048xf32>
    tpu.vector_store %arg1[%swap3A_65, %swap3A_66, %swap3A_67], %swap3A_70 {strides = array<i32>} : memref<2x128x2048xf32, #tpu.memory_space<vmem>>, vector<1x8x2048xf32>,
    %slice3A_71 = vector.extract_strided_slice %transpose3A {offsets = [160, 0], sizes = [8, 2048], strides = [1, 1]} : vector<256x2048xf32> to vector<8x2048xf32>
    %swap3A_72 = arith.constant 0 : index
    %swap3A_73 = arith.constant 80 : index
    %swap3A_74 = arith.constant 0 : index
    %swap3A_75 = vector.load %arg1[%swap3A_72, %swap3A_73, %swap3A_74] : memref<2x128x2048xf32, #tpu.memory_space<vmem>>, vector<1x8x2048xf32>
    %swap3A_76 = vector.shape_cast %swap3A_75 : vector<1x8x2048xf32> to vector<8x2048xf32>
    %swap3A_77 = vector.shape_cast %slice3A_71 : vector<8x2048xf32> to vector<1x8x2048xf32>
    tpu.vector_store %arg1[%swap3A_72, %swap3A_73, %swap3A_74], %swap3A_77 {strides = array<i32>} : memref<2x128x2048xf32, #tpu.memory_space<vmem>>, vector<1x8x2048xf32>,
    %slice3A_78 = vector.extract_strided_slice %transpose3A {offsets = [176, 0], sizes = [8, 2048], strides = [1, 1]} : vector<256x2048xf32> to vector<8x2048xf32>
    %swap3A_79 = arith.constant 0 : index
    %swap3A_80 = arith.constant 88 : index
    %swap3A_81 = arith.constant 0 : index
    %swap3A_82 = vector.load %arg1[%swap3A_79, %swap3A_80, %swap3A_81] : memref<2x128x2048xf32, #tpu.memory_space<vmem>>, vector<1x8x2048xf32>
    %swap3A_83 = vector.shape_cast %swap3A_82 : vector<1x8x2048xf32> to vector<8x2048xf32>
    %swap3A_84 = vector.shape_cast %slice3A_78 : vector<8x2048xf32> to vector<1x8x2048xf32>
    tpu.vector_store %arg1[%swap3A_79, %swap3A_80, %swap3A_81], %swap3A_84 {strides = array<i32>} : memref<2x128x2048xf32, #tpu.memory_space<vmem>>, vector<1x8x2048xf32>,
    %slice3A_85 = vector.extract_strided_slice %transpose3A {offsets = [192, 0], sizes = [8, 2048], strides = [1, 1]} : vector<256x2048xf32> to vector<8x2048xf32>
    %swap3A_86 = arith.constant 0 : index
    %swap3A_87 = arith.constant 96 : index
    %swap3A_88 = arith.constant 0 : index
    %swap3A_89 = vector.load %arg1[%swap3A_86, %swap3A_87, %swap3A_88] : memref<2x128x2048xf32, #tpu.memory_space<vmem>>, vector<1x8x2048xf32>
    %swap3A_90 = vector.shape_cast %swap3A_89 : vector<1x8x2048xf32> to vector<8x2048xf32>
    %swap3A_91 = vector.shape_cast %slice3A_85 : vector<8x2048xf32> to vector<1x8x2048xf32>
    tpu.vector_store %arg1[%swap3A_86, %swap3A_87, %swap3A_88], %swap3A_91 {strides = array<i32>} : memref<2x128x2048xf32, #tpu.memory_space<vmem>>, vector<1x8x2048xf32>,
    %slice3A_92 = vector.extract_strided_slice %transpose3A {offsets = [208, 0], sizes = [8, 2048], strides = [1, 1]} : vector<256x2048xf32> to vector<8x2048xf32>
    %swap3A_93 = arith.constant 0 : index
    %swap3A_94 = arith.constant 104 : index
    %swap3A_95 = arith.constant 0 : index
    %swap3A_96 = vector.load %arg1[%swap3A_93, %swap3A_94, %swap3A_95] : memref<2x128x2048xf32, #tpu.memory_space<vmem>>, vector<1x8x2048xf32>
    %swap3A_97 = vector.shape_cast %swap3A_96 : vector<1x8x2048xf32> to vector<8x2048xf32>
    %swap3A_98 = vector.shape_cast %slice3A_92 : vector<8x2048xf32> to vector<1x8x2048xf32>
    tpu.vector_store %arg1[%swap3A_93, %swap3A_94, %swap3A_95], %swap3A_98 {strides = array<i32>} : memref<2x128x2048xf32, #tpu.memory_space<vmem>>, vector<1x8x2048xf32>,
    %slice3A_99 = vector.extract_strided_slice %transpose3A {offsets = [224, 0], sizes = [8, 2048], strides = [1, 1]} : vector<256x2048xf32> to vector<8x2048xf32>
    %swap3A_100 = arith.constant 0 : index
    %swap3A_101 = arith.constant 112 : index
    %swap3A_102 = arith.constant 0 : index
    %swap3A_103 = vector.load %arg1[%swap3A_100, %swap3A_101, %swap3A_102] : memref<2x128x2048xf32, #tpu.memory_space<vmem>>, vector<1x8x2048xf32>
    %swap3A_104 = vector.shape_cast %swap3A_103 : vector<1x8x2048xf32> to vector<8x2048xf32>
    %swap3A_105 = vector.shape_cast %slice3A_99 : vector<8x2048xf32> to vector<1x8x2048xf32>
    tpu.vector_store %arg1[%swap3A_100, %swap3A_101, %swap3A_102], %swap3A_105 {strides = array<i32>} : memref<2x128x2048xf32, #tpu.memory_space<vmem>>, vector<1x8x2048xf32>,
    %slice3A_106 = vector.extract_strided_slice %transpose3A {offsets = [240, 0], sizes = [8, 2048], strides = [1, 1]} : vector<256x2048xf32> to vector<8x2048xf32>
    %swap3A_107 = arith.constant 0 : index
    %swap3A_108 = arith.constant 120 : index
    %swap3A_109 = arith.constant 0 : index
    %swap3A_110 = vector.load %arg1[%swap3A_107, %swap3A_108, %swap3A_109] : memref<2x128x2048xf32, #tpu.memory_space<vmem>>, vector<1x8x2048xf32>
    %swap3A_111 = vector.shape_cast %swap3A_110 : vector<1x8x2048xf32> to vector<8x2048xf32>
    %swap3A_112 = vector.shape_cast %slice3A_106 : vector<8x2048xf32> to vector<1x8x2048xf32>
    tpu.vector_store %arg1[%swap3A_107, %swap3A_108, %swap3A_109], %swap3A_112 {strides = array<i32>} : memref<2x128x2048xf32, #tpu.memory_space<vmem>>, vector<1x8x2048xf32>,
    %slice3A_113 = vector.extract_strided_slice %transpose3A {offsets = [8, 0], sizes = [8, 2048], strides = [1, 1]} : vector<256x2048xf32> to vector<8x2048xf32>
    %swap3A_114 = arith.constant 1 : index
    %swap3A_115 = arith.constant 0 : index
    %swap3A_116 = arith.constant 0 : index
    %swap3A_117 = vector.load %arg1[%swap3A_114, %swap3A_115, %swap3A_116] : memref<2x128x2048xf32, #tpu.memory_space<vmem>>, vector<1x8x2048xf32>
    %swap3A_118 = vector.shape_cast %swap3A_117 : vector<1x8x2048xf32> to vector<8x2048xf32>
    %swap3A_119 = vector.shape_cast %slice3A_113 : vector<8x2048xf32> to vector<1x8x2048xf32>
    tpu.vector_store %arg1[%swap3A_114, %swap3A_115, %swap3A_116], %swap3A_119 {strides = array<i32>} : memref<2x128x2048xf32, #tpu.memory_space<vmem>>, vector<1x8x2048xf32>,
    %slice3A_120 = vector.extract_strided_slice %transpose3A {offsets = [24, 0], sizes = [8, 2048], strides = [1, 1]} : vector<256x2048xf32> to vector<8x2048xf32>
    %swap3A_121 = arith.constant 1 : index
    %swap3A_122 = arith.constant 8 : index
    %swap3A_123 = arith.constant 0 : index
    %swap3A_124 = vector.load %arg1[%swap3A_121, %swap3A_122, %swap3A_123] : memref<2x128x2048xf32, #tpu.memory_space<vmem>>, vector<1x8x2048xf32>
    %swap3A_125 = vector.shape_cast %swap3A_124 : vector<1x8x2048xf32> to vector<8x2048xf32>
    %swap3A_126 = vector.shape_cast %slice3A_120 : vector<8x2048xf32> to vector<1x8x2048xf32>
    tpu.vector_store %arg1[%swap3A_121, %swap3A_122, %swap3A_123], %swap3A_126 {strides = array<i32>} : memref<2x128x2048xf32, #tpu.memory_space<vmem>>, vector<1x8x2048xf32>,
    %slice3A_127 = vector.extract_strided_slice %transpose3A {offsets = [40, 0], sizes = [8, 2048], strides = [1, 1]} : vector<256x2048xf32> to vector<8x2048xf32>
    %swap3A_128 = arith.constant 1 : index
    %swap3A_129 = arith.constant 16 : index
    %swap3A_130 = arith.constant 0 : index
    %swap3A_131 = vector.load %arg1[%swap3A_128, %swap3A_129, %swap3A_130] : memref<2x128x2048xf32, #tpu.memory_space<vmem>>, vector<1x8x2048xf32>
    %swap3A_132 = vector.shape_cast %swap3A_131 : vector<1x8x2048xf32> to vector<8x2048xf32>
    %swap3A_133 = vector.shape_cast %slice3A_127 : vector<8x2048xf32> to vector<1x8x2048xf32>
    tpu.vector_store %arg1[%swap3A_128, %swap3A_129, %swap3A_130], %swap3A_133 {strides = array<i32>} : memref<2x128x2048xf32, #tpu.memory_space<vmem>>, vector<1x8x2048xf32>,
    %slice3A_134 = vector.extract_strided_slice %transpose3A {offsets = [56, 0], sizes = [8, 2048], strides = [1, 1]} : vector<256x2048xf32> to vector<8x2048xf32>
    %swap3A_135 = arith.constant 1 : index
    %swap3A_136 = arith.constant 24 : index
    %swap3A_137 = arith.constant 0 : index
    %swap3A_138 = vector.load %arg1[%swap3A_135, %swap3A_136, %swap3A_137] : memref<2x128x2048xf32, #tpu.memory_space<vmem>>, vector<1x8x2048xf32>
    %swap3A_139 = vector.shape_cast %swap3A_138 : vector<1x8x2048xf32> to vector<8x2048xf32>
    %swap3A_140 = vector.shape_cast %slice3A_134 : vector<8x2048xf32> to vector<1x8x2048xf32>
    tpu.vector_store %arg1[%swap3A_135, %swap3A_136, %swap3A_137], %swap3A_140 {strides = array<i32>} : memref<2x128x2048xf32, #tpu.memory_space<vmem>>, vector<1x8x2048xf32>,
    %slice3A_141 = vector.extract_strided_slice %transpose3A {offsets = [72, 0], sizes = [8, 2048], strides = [1, 1]} : vector<256x2048xf32> to vector<8x2048xf32>
    %swap3A_142 = arith.constant 1 : index
    %swap3A_143 = arith.constant 32 : index
    %swap3A_144 = arith.constant 0 : index
    %swap3A_145 = vector.load %arg1[%swap3A_142, %swap3A_143, %swap3A_144] : memref<2x128x2048xf32, #tpu.memory_space<vmem>>, vector<1x8x2048xf32>
    %swap3A_146 = vector.shape_cast %swap3A_145 : vector<1x8x2048xf32> to vector<8x2048xf32>
    %swap3A_147 = vector.shape_cast %slice3A_141 : vector<8x2048xf32> to vector<1x8x2048xf32>
    tpu.vector_store %arg1[%swap3A_142, %swap3A_143, %swap3A_144], %swap3A_147 {strides = array<i32>} : memref<2x128x2048xf32, #tpu.memory_space<vmem>>, vector<1x8x2048xf32>,
    %slice3A_148 = vector.extract_strided_slice %transpose3A {offsets = [88, 0], sizes = [8, 2048], strides = [1, 1]} : vector<256x2048xf32> to vector<8x2048xf32>
    %swap3A_149 = arith.constant 1 : index
    %swap3A_150 = arith.constant 40 : index
    %swap3A_151 = arith.constant 0 : index
    %swap3A_152 = vector.load %arg1[%swap3A_149, %swap3A_150, %swap3A_151] : memref<2x128x2048xf32, #tpu.memory_space<vmem>>, vector<1x8x2048xf32>
    %swap3A_153 = vector.shape_cast %swap3A_152 : vector<1x8x2048xf32> to vector<8x2048xf32>
    %swap3A_154 = vector.shape_cast %slice3A_148 : vector<8x2048xf32> to vector<1x8x2048xf32>
    tpu.vector_store %arg1[%swap3A_149, %swap3A_150, %swap3A_151], %swap3A_154 {strides = array<i32>} : memref<2x128x2048xf32, #tpu.memory_space<vmem>>, vector<1x8x2048xf32>,
    %slice3A_155 = vector.extract_strided_slice %transpose3A {offsets = [104, 0], sizes = [8, 2048], strides = [1, 1]} : vector<256x2048xf32> to vector<8x2048xf32>
    %swap3A_156 = arith.constant 1 : index
    %swap3A_157 = arith.constant 48 : index
    %swap3A_158 = arith.constant 0 : index
    %swap3A_159 = vector.load %arg1[%swap3A_156, %swap3A_157, %swap3A_158] : memref<2x128x2048xf32, #tpu.memory_space<vmem>>, vector<1x8x2048xf32>
    %swap3A_160 = vector.shape_cast %swap3A_159 : vector<1x8x2048xf32> to vector<8x2048xf32>
    %swap3A_161 = vector.shape_cast %slice3A_155 : vector<8x2048xf32> to vector<1x8x2048xf32>
    tpu.vector_store %arg1[%swap3A_156, %swap3A_157, %swap3A_158], %swap3A_161 {strides = array<i32>} : memref<2x128x2048xf32, #tpu.memory_space<vmem>>, vector<1x8x2048xf32>,
    %slice3A_162 = vector.extract_strided_slice %transpose3A {offsets = [120, 0], sizes = [8, 2048], strides = [1, 1]} : vector<256x2048xf32> to vector<8x2048xf32>
    %swap3A_163 = arith.constant 1 : index
    %swap3A_164 = arith.constant 56 : index
    %swap3A_165 = arith.constant 0 : index
    %swap3A_166 = vector.load %arg1[%swap3A_163, %swap3A_164, %swap3A_165] : memref<2x128x2048xf32, #tpu.memory_space<vmem>>, vector<1x8x2048xf32>
    %swap3A_167 = vector.shape_cast %swap3A_166 : vector<1x8x2048xf32> to vector<8x2048xf32>
    %swap3A_168 = vector.shape_cast %slice3A_162 : vector<8x2048xf32> to vector<1x8x2048xf32>
    tpu.vector_store %arg1[%swap3A_163, %swap3A_164, %swap3A_165], %swap3A_168 {strides = array<i32>} : memref<2x128x2048xf32, #tpu.memory_space<vmem>>, vector<1x8x2048xf32>,
    %slice3A_169 = vector.extract_strided_slice %transpose3A {offsets = [136, 0], sizes = [8, 2048], strides = [1, 1]} : vector<256x2048xf32> to vector<8x2048xf32>
    %swap3A_170 = arith.constant 1 : index
    %swap3A_171 = arith.constant 64 : index
    %swap3A_172 = arith.constant 0 : index
    %swap3A_173 = vector.load %arg1[%swap3A_170, %swap3A_171, %swap3A_172] : memref<2x128x2048xf32, #tpu.memory_space<vmem>>, vector<1x8x2048xf32>
    %swap3A_174 = vector.shape_cast %swap3A_173 : vector<1x8x2048xf32> to vector<8x2048xf32>
    %swap3A_175 = vector.shape_cast %slice3A_169 : vector<8x2048xf32> to vector<1x8x2048xf32>
    tpu.vector_store %arg1[%swap3A_170, %swap3A_171, %swap3A_172], %swap3A_175 {strides = array<i32>} : memref<2x128x2048xf32, #tpu.memory_space<vmem>>, vector<1x8x2048xf32>,
    %slice3A_176 = vector.extract_strided_slice %transpose3A {offsets = [152, 0], sizes = [8, 2048], strides = [1, 1]} : vector<256x2048xf32> to vector<8x2048xf32>
    %swap3A_177 = arith.constant 1 : index
    %swap3A_178 = arith.constant 72 : index
    %swap3A_179 = arith.constant 0 : index
    %swap3A_180 = vector.load %arg1[%swap3A_177, %swap3A_178, %swap3A_179] : memref<2x128x2048xf32, #tpu.memory_space<vmem>>, vector<1x8x2048xf32>
    %swap3A_181 = vector.shape_cast %swap3A_180 : vector<1x8x2048xf32> to vector<8x2048xf32>
    %swap3A_182 = vector.shape_cast %slice3A_176 : vector<8x2048xf32> to vector<1x8x2048xf32>
    tpu.vector_store %arg1[%swap3A_177, %swap3A_178, %swap3A_179], %swap3A_182 {strides = array<i32>} : memref<2x128x2048xf32, #tpu.memory_space<vmem>>, vector<1x8x2048xf32>,
    %slice3A_183 = vector.extract_strided_slice %transpose3A {offsets = [168, 0], sizes = [8, 2048], strides = [1, 1]} : vector<256x2048xf32> to vector<8x2048xf32>
    %swap3A_184 = arith.constant 1 : index
    %swap3A_185 = arith.constant 80 : index
    %swap3A_186 = arith.constant 0 : index
    %swap3A_187 = vector.load %arg1[%swap3A_184, %swap3A_185, %swap3A_186] : memref<2x128x2048xf32, #tpu.memory_space<vmem>>, vector<1x8x2048xf32>
    %swap3A_188 = vector.shape_cast %swap3A_187 : vector<1x8x2048xf32> to vector<8x2048xf32>
    %swap3A_189 = vector.shape_cast %slice3A_183 : vector<8x2048xf32> to vector<1x8x2048xf32>
    tpu.vector_store %arg1[%swap3A_184, %swap3A_185, %swap3A_186], %swap3A_189 {strides = array<i32>} : memref<2x128x2048xf32, #tpu.memory_space<vmem>>, vector<1x8x2048xf32>,
    %slice3A_190 = vector.extract_strided_slice %transpose3A {offsets = [184, 0], sizes = [8, 2048], strides = [1, 1]} : vector<256x2048xf32> to vector<8x2048xf32>
    %swap3A_191 = arith.constant 1 : index
    %swap3A_192 = arith.constant 88 : index
    %swap3A_193 = arith.constant 0 : index
    %swap3A_194 = vector.load %arg1[%swap3A_191, %swap3A_192, %swap3A_193] : memref<2x128x2048xf32, #tpu.memory_space<vmem>>, vector<1x8x2048xf32>
    %swap3A_195 = vector.shape_cast %swap3A_194 : vector<1x8x2048xf32> to vector<8x2048xf32>
    %swap3A_196 = vector.shape_cast %slice3A_190 : vector<8x2048xf32> to vector<1x8x2048xf32>
    tpu.vector_store %arg1[%swap3A_191, %swap3A_192, %swap3A_193], %swap3A_196 {strides = array<i32>} : memref<2x128x2048xf32, #tpu.memory_space<vmem>>, vector<1x8x2048xf32>,
    %slice3A_197 = vector.extract_strided_slice %transpose3A {offsets = [200, 0], sizes = [8, 2048], strides = [1, 1]} : vector<256x2048xf32> to vector<8x2048xf32>
    %swap3A_198 = arith.constant 1 : index
    %swap3A_199 = arith.constant 96 : index
    %swap3A_200 = arith.constant 0 : index
    %swap3A_201 = vector.load %arg1[%swap3A_198, %swap3A_199, %swap3A_200] : memref<2x128x2048xf32, #tpu.memory_space<vmem>>, vector<1x8x2048xf32>
    %swap3A_202 = vector.shape_cast %swap3A_201 : vector<1x8x2048xf32> to vector<8x2048xf32>
    %swap3A_203 = vector.shape_cast %slice3A_197 : vector<8x2048xf32> to vector<1x8x2048xf32>
    tpu.vector_store %arg1[%swap3A_198, %swap3A_199, %swap3A_200], %swap3A_203 {strides = array<i32>} : memref<2x128x2048xf32, #tpu.memory_space<vmem>>, vector<1x8x2048xf32>,
    %slice3A_204 = vector.extract_strided_slice %transpose3A {offsets = [216, 0], sizes = [8, 2048], strides = [1, 1]} : vector<256x2048xf32> to vector<8x2048xf32>
    %swap3A_205 = arith.constant 1 : index
    %swap3A_206 = arith.constant 104 : index
    %swap3A_207 = arith.constant 0 : index
    %swap3A_208 = vector.load %arg1[%swap3A_205, %swap3A_206, %swap3A_207] : memref<2x128x2048xf32, #tpu.memory_space<vmem>>, vector<1x8x2048xf32>
    %swap3A_209 = vector.shape_cast %swap3A_208 : vector<1x8x2048xf32> to vector<8x2048xf32>
    %swap3A_210 = vector.shape_cast %slice3A_204 : vector<8x2048xf32> to vector<1x8x2048xf32>
    tpu.vector_store %arg1[%swap3A_205, %swap3A_206, %swap3A_207], %swap3A_210 {strides = array<i32>} : memref<2x128x2048xf32, #tpu.memory_space<vmem>>, vector<1x8x2048xf32>,
    %slice3A_211 = vector.extract_strided_slice %transpose3A {offsets = [232, 0], sizes = [8, 2048], strides = [1, 1]} : vector<256x2048xf32> to vector<8x2048xf32>
    %swap3A_212 = arith.constant 1 : index
    %swap3A_213 = arith.constant 112 : index
    %swap3A_214 = arith.constant 0 : index
    %swap3A_215 = vector.load %arg1[%swap3A_212, %swap3A_213, %swap3A_214] : memref<2x128x2048xf32, #tpu.memory_space<vmem>>, vector<1x8x2048xf32>
    %swap3A_216 = vector.shape_cast %swap3A_215 : vector<1x8x2048xf32> to vector<8x2048xf32>
    %swap3A_217 = vector.shape_cast %slice3A_211 : vector<8x2048xf32> to vector<1x8x2048xf32>
    tpu.vector_store %arg1[%swap3A_212, %swap3A_213, %swap3A_214], %swap3A_217 {strides = array<i32>} : memref<2x128x2048xf32, #tpu.memory_space<vmem>>, vector<1x8x2048xf32>,
    %slice3A_218 = vector.extract_strided_slice %transpose3A {offsets = [248, 0], sizes = [8, 2048], strides = [1, 1]} : vector<256x2048xf32> to vector<8x2048xf32>
    %swap3A_219 = arith.constant 1 : index
    %swap3A_220 = arith.constant 120 : index
    %swap3A_221 = arith.constant 0 : index
    %swap3A_222 = vector.load %arg1[%swap3A_219, %swap3A_220, %swap3A_221] : memref<2x128x2048xf32, #tpu.memory_space<vmem>>, vector<1x8x2048xf32>
    %swap3A_223 = vector.shape_cast %swap3A_222 : vector<1x8x2048xf32> to vector<8x2048xf32>
    %swap3A_224 = vector.shape_cast %slice3A_218 : vector<8x2048xf32> to vector<1x8x2048xf32>
    tpu.vector_store %arg1[%swap3A_219, %swap3A_220, %swap3A_221], %swap3A_224 {strides = array<i32>} : memref<2x128x2048xf32, #tpu.memory_space<vmem>>, vector<1x8x2048xf32>,
    %slice3A_225 = vector.extract_strided_slice %get3A_1 {offsets = [0, 256], sizes = [2048, 16], strides = [1, 1]} : vector<2048x384xf32> to vector<2048x16xf32>
    %transpose3A_226 = tpu.transpose %slice3A_225, [1, 0] : vector<2048x16xf32> -> vector<16x2048xf32>
    %swap3A_227 = arith.constant 0 : index
    %swap3A_228 = arith.constant 0 : index
    %swap3A_229 = vector.load %arg2[%swap3A_227, %swap3A_228] : memref<16x2048xf32, #tpu.memory_space<vmem>>, vector<16x2048xf32>
    tpu.vector_store %arg2[%swap3A_227, %swap3A_228], %transpose3A_226 {strides = array<i32>} : memref<16x2048xf32, #tpu.memory_space<vmem>>, vector<16x2048xf32>,
    return
  }
}

</mosaic_0001>

<sc_bundles>
// kernel: kernel.6.cloned.1.call-start
scs
__scs_entry_jumppad:
0x0: {  	(pc) =	sbr.rel $0x88, $3  }
0x1: {  	(tag) =	ssettag $0x0;
	lr =	simm.s32 $0x1  }
0x2: {  	[smem:$0x3F97] =	sst lr;
	_ =	strace $0xD0000000  }
0x3: {  	_ = 	snop  }
0x4: {  	_ = 	snop  }
0x5: {  	_ = 	snop  }
0x6: {  	_ = 	snop  }
0x7: {  	_ = 	snop  }
__scs_overlays_trampoline_lowered:
0x8: {  	[smem:$0x3FA6] =	sst s0  }
0x9: {  	[smem:$0x3FA7] =	sst s1  }
0xa: {  	[smem:$0x3FA8] =	sst s2  }
0xb: {  	[smem:$0x3FA9] =	sst s3  }
0xc: {  	[smem:$0x3FAA] =	sst s4  }
0xd: {  	[smem:$0x3FAB] =	sst s5  }
0xe: {  	[smem:$0x3FAC] =	sst s6  }
0xf: {  	[smem:$0x3FAD] =	sst s7  }
0x10: {  	[smem:$0x3FAE] =	sst s8  }
0x11: {  	[smem:$0x3FAF] =	sst s9;
	s0 =	simm.s32 @!p0 $0x0  }
0x12: {  	s1 =	sld [smem:$0x3F95];
	s0 =	simm.s32 @p0 $0x1  }
0x13: {  	[smem:$0x3FB0] =	sst s0;
	s0 =	simm.s32 @!p1 $0x0  }
0x14: {  	s2 =	sld [smem:$0x3F94];
	s0 =	simm.s32 @p1 $0x1  }
0x15: {  	[smem:$0x3FB1] =	sst s0;
	s0 =	simm.s32 @!p2 $0x0  }
0x16: {  	s3 =	sld [smem:$0x3FDB];
	s0 =	simm.s32 @p2 $0x1  }
0x17: {  	s4 =	simm.s32 $0x1BF5;
	[smem:$0x3FB3] =	sst s0  }
0x18: {  	s0 =	sld [smem:$0x3F96];
	_ =	swait.ge [sflag:s4], $0x0  }
0x19: {  	s7 =	sld [smem:$0x3F97]  }
0x1a: {  	s8 =	sadd.s32 $0xFFFFE003, lr  }
0x1b: {  	s9 =	sadd.s32 $0xFFFFFEF7, lr;
	s5 =	simm.s32 $0xFFFFFFFF;
	p2 =	slt.u32 s8, $0xFFFFF086  }
0x1c: {  	p1 =	slt.u32 s9, $0xF7A;
	s5 =	simm.s32 @!p2 $0x0  }
0x1d: {  	s5 =	simm.s32 @p1 $0x1;
	p0 =	seq.s32 s7, s2  }
0x1e: {  	s7 =	smul.u32 @!p0 $0xF7A, s2;
	p2 =	seq.s32 @!p0 s5, $0x0  }
0x1f: {  	s9 =	smul.u32 $0xF7A, s1;
	s8 =	simm.s32 @!p0 $0x1BF5;
	p2 =	por !p2, p0  }
0x20: {  	[sflag:s8] =	ssyncset.s32 @!p0 $0xFFFFF086;
	s6 =	sadd.s32 @!p0 s3, s7;
	s7 =	simm.s32 @!p0 $0x108  }
0x21: {  	s3 =	sadd.s32 s3, s9;
	s6 =	sadd.s32 @!p0 $0x88, s6;
	s7 =	simm.s32 @p2 $0x1082  }
0x22: {  	[simem:s7], [sflag:s8] =	dma.local @!p0 [hbm:s6], $0xF7A  }
0x23: {  	s9 =	sor.u32 $0xD0000000, s2;
	s6 =	simm.s32 $0x108;
	_ =	swait.ge @!p0 [sflag:s8], $0x0  }
0x24: {  	s3 =	sadd.s32 $0x88, s3;
	s6 =	simm.s32 @!p1 $0x1082;
	[sflag:s4] =	ssyncset.s32 $0xFFFFF086  }
0x25: {  	[simem:s6], [sflag:s4] =	dma.local [hbm:s3], $0xF7A  }
0x26: {  	[smem:$0x3F97] =	sst s1;
	(tag) =	ssettag s2;
	_ =	strace s9  }
0x27: {  	s1 =	sld [smem:$0x3FA7]  }
0x28: {  	s2 =	sld [smem:$0x3FA8]  }
0x29: {  	s4 =	sld [smem:$0x3FAA]  }
0x2a: {  	p0 =	seq.s32 s5, $0x0;
	s5 =	sld [smem:$0x3FAB]  }
0x2b: {  	s6 =	sld [smem:$0x3FAC]  }
0x2c: {  	s7 =	sld [smem:$0x3FAD]  }
0x2d: {  	s3 =	simm.s32 $0x108;
	s8 =	sld [smem:$0x3FAE]  }
0x2e: {  	s3 =	simm.s32 @!p0 $0x1082;
	s9 =	sld [smem:$0x3FAF]  }
0x2f: {  	lr =	sadd.s32 s0, s3;
	s0 =	sld [smem:$0x3FA6]  }
0x30: {  	s3 =	sld [smem:$0x3FA9]  }
0x31: {  	[smem:$0x3FB2] =	sst s10  }
0x32: {  	s10 =	sld [smem:$0x3FB0];
	_ =	sdelay $0x3  }
0x33: {  	p0 =	seq.s32 s10, $0x1;
	s10 =	sld [smem:$0x3FB2];
	_ =	sdelay $0x3  }
0x34: {  	[smem:$0x3FB2] =	sst s10  }
0x35: {  	s10 =	sld [smem:$0x3FB1];
	_ =	sdelay $0x3  }
0x36: {  	p1 =	seq.s32 s10, $0x1;
	s10 =	sld [smem:$0x3FB2];
	_ =	sdelay $0x3  }
0x37: {  	[smem:$0x3FB2] =	sst s10  }
0x38: {  	s10 =	sld [smem:$0x3FB3]  }
0x39: {  	_ = 	snop;
	(pc) =	sbr.ind lr, $3  }
0x3a: {  	_ = 	snop  }
0x3b: {  	_ = 	snop  }
0x3c: {  	p2 =	seq.s32 s10, $0x1;
	s10 =	sld [smem:$0x3FB2]  }
0x3d: {  	_ =	shalt  }
0x3e: {  	_ =	shalt  }
0x3f: {  	_ =	shalt  }
0x40: {  	_ =	shalt  }
0x41: {  	_ =	shalt  }
0x42: {  	_ =	shalt  }
0x43: {  	_ =	shalt  }
0x44: {  	_ =	shalt  }
0x45: {  	_ =	shalt  }
0x46: {  	_ =	shalt  }
0x47: {  	_ =	shalt  }
0x48: {  	_ =	shalt  }
0x49: {  	_ =	shalt  }
0x4a: {  	_ =	shalt  }
0x4b: {  	_ =	shalt  }
0x4c: {  	_ =	shalt  }
0x4d: {  	_ =	shalt  }
0x4e: {  	_ =	shalt  }
0x4f: {  	_ =	shalt  }
0x50: {  	_ =	shalt  }
0x51: {  	_ =	shalt  }
0x52: {  	_ =	shalt  }
0x53: {  	_ =	shalt  }
0x54: {  	_ =	shalt  }
0x55: {  	_ =	shalt  }
0x56: {  	_ =	shalt  }
0x57: {  	_ =	shalt  }
0x58: {  	_ =	shalt  }
0x59: {  	_ =	shalt  }
0x5a: {  	_ =	shalt  }
0x5b: {  	_ =	shalt  }
0x5c: {  	_ =	shalt  }
0x5d: {  	_ =	shalt  }
0x5e: {  	_ =	shalt  }
0x5f: {  	_ =	shalt  }
0x60: {  	_ =	shalt  }
0x61: {  	_ =	shalt  }
0x62: {  	_ =	shalt  }
0x63: {  	_ =	shalt  }
0x64: {  	_ =	shalt  }
0x65: {  	_ =	shalt  }
0x66: {  	_ =	shalt  }
0x67: {  	_ =	shalt  }
0x68: {  	_ =	shalt  }
0x69: {  	_ =	shalt  }
0x6a: {  	_ =	shalt  }
0x6b: {  	_ =	shalt  }
0x6c: {  	_ =	shalt  }
0x6d: {  	_ =	shalt  }
0x6e: {  	_ =	shalt  }
0x6f: {  	_ =	shalt  }
0x70: {  	_ =	shalt  }
0x71: {  	_ =	shalt  }
0x72: {  	_ =	shalt  }
0x73: {  	_ =	shalt  }
0x74: {  	_ =	shalt  }
0x75: {  	_ =	shalt  }
0x76: {  	_ =	shalt  }
0x77: {  	_ =	shalt  }
0x78: {  	_ =	shalt  }
0x79: {  	_ =	shalt  }
0x7a: {  	_ =	shalt  }
0x7b: {  	_ =	shalt  }
0x7c: {  	_ =	shalt  }
0x7d: {  	_ =	shalt  }
0x7e: {  	_ =	shalt  }
0x7f: {  	_ =	shalt  }
0x80: {  	_ =	shalt  }
0x81: {  	_ =	shalt  }
0x82: {  	_ =	shalt  }
0x83: {  	_ =	shalt  }
0x84: {  	_ =	shalt  }
0x85: {  	_ =	shalt  }
0x86: {  	_ =	shalt  }
0x87: {  	_ =	shalt  }
.Lfunc_end0:
.L_simem_size_0:
called_computation_lowered:
.L_overlay_start_0:
0x88: {  	s2 =	sld [smem:$0x3FD9]  }
0x89: {  	s3 =	sld [smem:$0x3FFE];
	_ =	sdelay $0x1  }
0x8a: {  	s1 =	srdreg.scid  }
0x8b: {  	s0 =	sand.u32 $0x1, s1  }
0x8c: {  	s17 =	sshll.u32 s0, $0xA;
	s2 =	sadd.s32 s3, s2  }
0x8d: {  	s2 =	sadd.s32 s2, s17  }
0x8e: {  	[smem:$0x3FBE] =	sst s2  }
0x8f: {  	_ = 	snop  }
0x90: {  	s2 =	sld [smem:$0x3FC8]  }
0x91: {  	s18 =	sld [smem:$0x3FD0];
	(tm) =	ssettm $0x1  }
0x92: {  	s4 =	sld [smem:$0x3FFB];
	_ =	sdelay $0x3  }
0x93: {  	_ =	strace s4  }
0x94: {  	s4 =	sld [smem:$0x3FFC];
	_ =	sdelay $0x3  }
0x95: {  	_ =	strace s4  }
0x96: {  	s4 =	sld [smem:$0x3FFD];
	_ =	sdelay $0x3  }
0x97: {  	_ =	strace s4  }
0x98: {  	_ =	strace $0x8FFFFFFF  }
0x99: {  	s19 =	sld [smem:$0x3FDB];
	_ =	sdelay $0x1  }
0x9a: {  	s5 =	simm.s32 $_scs_section_size  }
0x9b: {  	s6 =	simm.s32 $_size__tile_overlayer_lowered;
	s7 =	simm.s32 $_tile_overlayer_lowered  }
0x9c: {  	s22 =	simm.s32 $0x1BFF;
	s21 =	sshll.u32 s7, $0x1;
	s4 =	sadd.s32 s5, s19  }
0x9d: {  	s8 =	simm.s32 $0x0;
	s20 =	sshll.u32 s6, $0x1;
	s6 =	sadd.s32 s21, s4  }
0x9e: {  	[timem:s8], [sflag:s22] =	dma.local [hbm:s6], s20  }
0x9f: {  	_ =	swait.ge [sflag:s22], s20  }
0xa0: {  	s5 =	ssub.s32 $0x0, s20;
	[sflag:s22] =	ssyncset.done $0x0  }
0xa1: {  	[sflag:s22] =	ssyncadd.s32 s5;
	_ =	sdelay $0x1  }
0xa2: {  	s23 =	simm.s32 $0x1B8B  }
0xa3: {  	_ =	swait.ge [sflag:s23], $0x1  }
0xa4: {  	[sflag:s23] =	ssyncset.done $0x0  }
0xa5: {  	s25 =	simm.s32 $0x1B8E;
	s24 =	sld [smem:$0x3FFE];
	[sflag:s23] =	ssyncadd.s32 $0xFFFFFFFF  }
0xa6: {  	s26 =	simm.s32 $execute0_lowered;
	[smem:$0x3FD2] =	sst s25  }
0xa7: {  	s6 =	sshll.u32 s26, $0x1;
	_ =	strace $0x80000046;
	[dreg:$0x1] =	wrdreg $0xFFFFFFFF  }
0xa8: {  	s28 =	simm.s32 $_size_execute0_lowered;
	s4 =	sadd.s32 s4, s6;
	[dreg:$0x0] =	wrdreg $0x0  }
0xa9: {  	s6 =	sshll.u32 s28, $0x1;
	[dreg:$0x2] =	wrdreg s4  }
0xaa: {  	[dreg:$0x3] =	wrdreg s6  }
0xab: {  	[dreg:$0x4] =	wrdreg $0xC0  }
0xac: {  	_ =	task [dreg:s8], $0x5FFFF  }
0xad: {  	[dreg:$0x1] =	wrdreg $0xFFFFFFFF  }
0xae: {  	[dreg:$0x0] =	wrdreg $0x60  }
0xaf: {  	[dreg:$0x2] =	wrdreg s2  }
0xb0: {  	[dreg:$0x3] =	wrdreg s24  }
0xb1: {  	[dreg:$0x4] =	wrdreg s18  }
0xb2: {  	[dreg:$0x5] =	wrdreg $0x9  }
0xb3: {  	_ =	task.clear_ibuf [dreg:s8], $0x6FFFF;
	_ =	strace $0x90000046  }
0xb4: {  	s29 =	simm.s32 $0x9;
	_ =	strace $0x80000048  }
0xb5: {  	_ =	swait.ge [sflag:s29], $0x1  }
0xb6: {  	[sflag:s29] =	ssyncadd.s32 $0xFFFFFFFF  }
0xb7: {  	_ =	strace $0x90000048  }
0xb8: {  	_ =	sfence  }
0xb9: {  	s30 =	sld [smem:$0x0];
	_ =	sdelay $0x2  }
0xba: {  	s31 =	sshll.u32 s1, $0xD;
	s1 =	sshrl.u32 s1, $0x2  }
0xbb: {  	s3 =	sand.u32 $0x4000, s31;
	s1 =	sadd.s32 s1, s30  }
0xbc: {  	s0 =	sor.u32 s3, s0;
	s1 =	sshll.u32 s1, $0x11  }
0xbd: {  	s0 =	sor.u32 s1, s0  }
0xbe: {  	s0 =	sadd.s32 $0x8F2B, s0  }
0xbf: {  	[sflag:s0] =	ssyncadd.remote.s32 $0x1  }
0xc0: {  	_ =	sfence.sel $0xFFFF  }
0xc1: {  	[dreg:$0x0] =	wrdreg $0xFFFFFFFF;
	(pc) =	sbr.abs _section_cstart, $3  }
0xc2: {  	[dreg:$0x1] =	wrdreg $0xFFFFFFFF  }
0xc3: {  	_ =	task.clear_ibuf [dreg:s8], $0x2FFFF;
	_ =	strace $0x9FFFFFFF  }
0xc4: {  	(tm) =	ssettm $0x7FFFFFFF  }
0xc5: {  	_ =	shalt  }
tec
execute0_lowered:
.L_overlay_start_1:
0x0: {  	(tag) =	ssettag $0x1  }
0x1: {  	s4 =	rddreg [dreg:$0x0]  }
0x2: {  	s5 =	rddreg [dreg:$0x1]  }
0x3: {  	s6 =	rddreg [dreg:$0x2];
	s2 =	srdreg.scid  }
0x4: {  	s0 =	rddreg [dreg:$0x3];
	s1 =	stileid.u32;
	s11 =	simm.s32 $0xC80  }
0x5: {  	s12 =	simm.s32 $0x1480;
	s13 =	simm.s32 $0x1880;
	s14 =	simm.s32 $0x2080  }
0x6: {  	s15 =	simm.s32 $0x2480;
	s16 =	simm.s32 $0x2C80;
	s17 =	simm.s32 $0x3080  }
0x7: {  	s18 =	simm.s32 $0x3880;
	s19 =	simm.s32 $0x3C80;
	s20 =	simm.s32 $0x4480  }
0x8: {  	s21 =	simm.s32 $0x4880;
	s22 =	simm.s32 $0x5080;
	s23 =	simm.s32 $0x5480  }
0x9: {  	s24 =	simm.s32 $0x5C80;
	s25 =	simm.s32 $0x1;
	s3 =	sand.u32 $0x1, s2  }
0xa: {  	s2 =	simm.s32 $0x0;
	s7 =	sshll.u32 s1, $0x4;
	s8 =	sshll.u32 s3, $0x3  }
0xb: {  	[smem:$0x7FF] =	sst s2;
	s9 =	ssub.s32 $0x2, s3;
	s3 =	sadd.s32 $0x1A00, s5  }
0xc: {  	s5 =	sadd.s32 $0x1B00, s5;
	s7 =	sor.u32 s8, s7;
	s31 =	sshrl.u32 s9, $0x1  }
0xd: {  	v2 =	vlaneseq.u32;
	_ =	strace $0x80000047;
	s10 =	smul.u32 $0x180, s7;
	s8 =	ssub.s32 s9, s31  }
0xe: {  	vm0 =	vmmov $0xffff;
	vm1 =	vmmov $0xff;
	v1 =	vshrl.u32 v2, $0x3;
	s4 =	sadd.s32 s4, s7;
	s9 =	simm.s32 $0x80;
	s7 =	smax.u32 s8, $0x1  }
0xf: {  	v0 =	vand.u32 $0x7, v2;
	v2 =	vor.u32 $0x8, v2;
	v1 =	vmul.u32 $0x8, v1;
	s8 =	simm.s32 $0x2;
	s6 =	sadd.s32 s6, s10;
	s10 =	simm.s32 $0x880  }
.LBB2_1:
0x10: {  	[tilespmem:s2], [sflag:$0x2] =	stream.linear.gather [hbm4b:s4+s2], $0x40, $0x38;
	[tilespmem:$0x6080] =	vst v63  }
0x11: {  	_ =	swait.ge [sflag:s8], $0x40  }
0x12: {  	[sflag:s8] =	ssyncset.done $0x0  }
0x13: {  	[sflag:s8] =	ssyncadd.s32 $0xFFFFFFC0  }
0x14: {  	v3 =	vld [tilespmem:$0x0];
	_ =	sdelay $0x4  }
0x15: {  	v4 =	vshrl.u32 v3, $0x3  }
0x16: {  	v4 =	vmul.u32 $0x18, v4  }
0x17: {  	v3 =	vand.u32 $0x7, v3  }
0x18: {  	v3 =	vor.u32 v3, v4  }
0x19: {  	v4 =	vperm.xlane v3, v0;
	_ =	sdelay $0x1  }
0x1a: {  	v4 =	vadd.s32 v1, v4;
	_ =	sdelay $0x1  }
0x1b: {  	v3 =	vperm.xlane v3, v2;
	_ =	sdelay $0x1  }
0x1c: {  	v3 =	vadd.s32 v1, v3  }
0x1d: {  	[tilespmem:s9], [sflag:$0x1] =	stream.indirect_vreg.gather [hbm4b:s3+s2], $0x80, v4, vm0, $0xb8;
	[tilespmem:$0x6080] =	vst v63  }
0x1e: {  	_ = 	snop  }
0x1f: {  	[tilespmem:s10], [sflag:$0x1] =	stream.indirect_vreg.gather [hbm4b:s5+s2], $0x80, v4, vm1, $0xb8;
	[tilespmem:$0x6080] =	vst v63  }
0x20: {  	_ = 	snop  }
0x21: {  	[tilespmem:s11], [sflag:$0x1] =	stream.indirect_vreg.gather [hbm4b:s3+s2], $0x80, v3, vm0, $0xb8;
	[tilespmem:$0x6080] =	vst v63  }
0x22: {  	_ = 	snop  }
0x23: {  	[tilespmem:s12], [sflag:$0x1] =	stream.indirect_vreg.gather [hbm4b:s5+s2], $0x80, v3, vm1, $0xb8;
	[tilespmem:$0x6080] =	vst v63  }
0x24: {  	v3 =	vld [tilespmem:$0x10];
	_ =	sdelay $0x4  }
0x25: {  	v61 =	vshrl.u32 v3, $0x3  }
0x26: {  	v4 =	vmul.u32 $0x18, v61  }
0x27: {  	v3 =	vand.u32 $0x7, v3  }
0x28: {  	v3 =	vor.u32 v3, v4  }
0x29: {  	v4 =	vperm.xlane v3, v0;
	_ =	sdelay $0x1  }
0x2a: {  	v4 =	vadd.s32 v1, v4;
	_ =	sdelay $0x1  }
0x2b: {  	v3 =	vperm.xlane v3, v2;
	_ =	sdelay $0x1  }
0x2c: {  	v3 =	vadd.s32 v1, v3  }
0x2d: {  	[tilespmem:s13], [sflag:$0x1] =	stream.indirect_vreg.gather [hbm4b:s3+s2], $0x80, v4, vm0, $0xb8;
	[tilespmem:$0x6080] =	vst v63  }
0x2e: {  	_ = 	snop  }
0x2f: {  	[tilespmem:s14], [sflag:$0x1] =	stream.indirect_vreg.gather [hbm4b:s5+s2], $0x80, v4, vm1, $0xb8;
	[tilespmem:$0x6080] =	vst v63  }
0x30: {  	_ = 	snop  }
0x31: {  	[tilespmem:s15], [sflag:$0x1] =	stream.indirect_vreg.gather [hbm4b:s3+s2], $0x80, v3, vm0, $0xb8;
	[tilespmem:$0x6080] =	vst v63  }
0x32: {  	_ = 	snop  }
0x33: {  	[tilespmem:s16], [sflag:$0x1] =	stream.indirect_vreg.gather [hbm4b:s5+s2], $0x80, v3, vm1, $0xb8;
	[tilespmem:$0x6080] =	vst v63  }
0x34: {  	v3 =	vld [tilespmem:$0x20];
	_ =	sdelay $0x4  }
0x35: {  	v62 =	vshrl.u32 v3, $0x3  }
0x36: {  	v4 =	vmul.u32 $0x18, v62  }
0x37: {  	v3 =	vand.u32 $0x7, v3  }
0x38: {  	v3 =	vor.u32 v3, v4  }
0x39: {  	v4 =	vperm.xlane v3, v0;
	_ =	sdelay $0x1  }
0x3a: {  	v4 =	vadd.s32 v1, v4;
	_ =	sdelay $0x1  }
0x3b: {  	v3 =	vperm.xlane v3, v2;
	_ =	sdelay $0x1  }
0x3c: {  	v3 =	vadd.s32 v1, v3  }
0x3d: {  	[tilespmem:s17], [sflag:$0x1] =	stream.indirect_vreg.gather [hbm4b:s3+s2], $0x80, v4, vm0, $0xb8;
	[tilespmem:$0x6080] =	vst v63  }
0x3e: {  	_ = 	snop  }
0x3f: {  	[tilespmem:s18], [sflag:$0x1] =	stream.indirect_vreg.gather [hbm4b:s5+s2], $0x80, v4, vm1, $0xb8;
	[tilespmem:$0x6080] =	vst v63  }
0x40: {  	_ = 	snop  }
0x41: {  	[tilespmem:s19], [sflag:$0x1] =	stream.indirect_vreg.gather [hbm4b:s3+s2], $0x80, v3, vm0, $0xb8;
	[tilespmem:$0x6080] =	vst v63  }
0x42: {  	_ = 	snop  }
0x43: {  	[tilespmem:s20], [sflag:$0x1] =	stream.indirect_vreg.gather [hbm4b:s5+s2], $0x80, v3, vm1, $0xb8;
	[tilespmem:$0x6080] =	vst v63  }
0x44: {  	v3 =	vld [tilespmem:$0x30];
	_ =	sdelay $0x4  }
0x45: {  	v63 =	vshrl.u32 v3, $0x3  }
0x46: {  	v4 =	vmul.u32 $0x18, v63  }
0x47: {  	v3 =	vand.u32 $0x7, v3  }
0x48: {  	v3 =	vor.u32 v3, v4  }
0x49: {  	v4 =	vperm.xlane v3, v0;
	_ =	sdelay $0x1  }
0x4a: {  	v4 =	vadd.s32 v1, v4;
	_ =	sdelay $0x1  }
0x4b: {  	v3 =	vperm.xlane v3, v2;
	_ =	sdelay $0x1  }
0x4c: {  	v3 =	vadd.s32 v1, v3  }
0x4d: {  	[tilespmem:s21], [sflag:$0x1] =	stream.indirect_vreg.gather [hbm4b:s3+s2], $0x80, v4, vm0, $0xb8;
	[tilespmem:$0x6080] =	vst v63  }
0x4e: {  	_ = 	snop  }
0x4f: {  	[tilespmem:s22], [sflag:$0x1] =	stream.indirect_vreg.gather [hbm4b:s5+s2], $0x80, v4, vm1, $0xb8;
	[tilespmem:$0x6080] =	vst v63  }
0x50: {  	_ = 	snop  }
0x51: {  	[tilespmem:s23], [sflag:$0x1] =	stream.indirect_vreg.gather [hbm4b:s3+s2], $0x80, v3, vm0, $0xb8;
	[tilespmem:$0x6080] =	vst v63  }
0x52: {  	_ = 	snop  }
0x53: {  	[tilespmem:s24], [sflag:$0x1] =	stream.indirect_vreg.gather [hbm4b:s5+s2], $0x80, v3, vm1, $0xb8;
	[tilespmem:$0x6080] =	vst v63  }
0x54: {  	_ =	swait.ge [sflag:s25], $0x6000  }
0x55: {  	p0 =	sne.s32 s7, $0x1;
	[sflag:s25] =	ssyncset.done $0x0  }
.Ltmp0:
0x56: {  	[sflag:s25] =	ssyncadd.s32 $0xFFFFA000;
	(pc) =	sbr.rel @p0 .LBB2_1-.Ltmp0, $4  }
0x57: {  	[hbm4b:s6+s2] =	stream.linear.scatter [tilespmem:s9], [sflag:$0x2], $0x6000, $0x38;
	[tilespmem:$0x6080] =	vst v63  }
0x58: {  	_ =	swait.ge [sflag:s8], $0x6000  }
0x59: {  	[sflag:s8] =	ssyncset.done $0x0  }
0x5a: {  	s7 =	sadd.s32 $0xFFFFFFFF, s7;
	[sflag:s8] =	ssyncadd.s32 $0xFFFFA000  }
0x5b: {  	_ =	sfence.sel $0x180000  }
0x5c: {  	[bflag:$0x0] =	sbarrier.arrive $0xFFFF  }
0x5d: {  	p0 =	sne.s32 s1, $0x0;
	_ =	strace $0x90000047  }
0x5e: {  	s0 =	sadd.s32 @!p0 $0x100000, s0;
	[bflag:$0x2] =	sbarrier.arrive $0xFFFF  }
0x5f: {  	[sflag:s0] =	ssyncadd.tile.s32 @!p0 $0x1;
	_ =	shalt  }
.Lfunc_end2:
_tile_overlayer_lowered:
.L_overlay_start_2:
0x60: {  	(tag) =	ssettag $0x2  }
0x61: {  	s0 =	rddreg [dreg:$0x0];
	s2 =	stileid.u32  }
0x62: {  	s1 =	rddreg [dreg:$0x1];
	p0 =	sne.s32 s2, $0x0  }
0x63: {  	s3 =	rddreg [dreg:$0x2];
	[bflag:$0x3] =	sbarrier.arrive $0xFFFF;
	s2 =	simm.s32 @!p0 $0x1C02  }
0x64: {  	[timem:s3], [sflag:s2] =	dma.local @!p0 [hbm:s0], s1  }
0x65: {  	s0 =	simm.s32 @!p0 $0x2  }
0x66: {  	_ =	swait.ge @!p0 [sflag:s0], s1  }
0x67: {  	s1 =	ssub.s32 @!p0 $0x0, s1;
	[sflag:s0] =	ssyncset.done @!p0 $0x0  }
0x68: {  	[sflag:s0] =	ssyncadd.s32 @!p0 s1  }
0x69: {  	[bflag:$0x3] =	sbarrier.arrive $0xFFFF  }
0x6a: {  	_ =	shalt  }

</sc_bundles>
